<compile_context>
chip_gen: v7x
topology: tpu7x:2x2x1
jax: 0.10.2.dev20260603
libtpu: 0.0.44.dev20260713+nightly
codegen_flags: <defaults>
</compile_context>

<pallas_src>
import functools

import jax
import jax.numpy as jnp
from jax import lax
from jax.experimental import pallas as pl
from jax.experimental.pallas import tpu as pltpu
from jax.experimental.pallas import tpu_sc as plsc

N = 10000
E = 320000
D = 128
NC, NS = 2, 16
RPT = N // NS
CW = 80
LAG = 1


def _segsum_body(table, eidx, out, acc, gidx, sidx, rows, sem_g, sem_s,
                 sem_i, *, dp, nb, cw, g):
    chunks = E // (NS * cw)
    ng = chunks // g
    c = lax.axis_index("c")
    s = lax.axis_index("s")
    base = s * chunks

    def zstore(t, _):
        r = t // (dp // 16)
        j = t % (dp // 16)
        rows[0, r, pl.ds(j * 16, 16)] = jnp.zeros((16,), jnp.float32)
        return 0
    lax.fori_loop(0, cw * (dp // 16), zstore, 0)
    for k in range(RPT // cw):
        pltpu.sync_copy(rows.at[0, pl.ds(0, cw)],
                        acc.at[pl.ds(s * RPT + k * cw, cw)])
    if RPT % cw:
        pltpu.sync_copy(rows.at[0, pl.ds(0, RPT % cw)],
                        acc.at[pl.ds(s * RPT + (RPT // cw) * cw, RPT % cw)])

    pltpu.sync_copy(eidx.at[c, pl.ds(base, g)], gidx.at[0])
    pltpu.sync_copy(eidx.at[1 - c, pl.ds(base, g)], sidx.at[0])
    for j in range(nb):
        pltpu.async_copy(table.at[gidx.at[0, j]], rows.at[j], sem_g)
    if E // (NS * cw) > g:
        pltpu.async_copy(eidx.at[c, pl.ds(base + g, g)], gidx.at[1], sem_i)
        pltpu.async_copy(eidx.at[1 - c, pl.ds(base + g, g)], sidx.at[1], sem_i)

    plsc.subcore_barrier()

    def step(i, _):
        grp = i // g
        pos = i % g
        slot = grp % 2
        buf = i % nb

        @pl.when(jnp.logical_and(pos == g - nb + LAG, grp + 1 < ng))
        def _():
            nslot = (grp + 1) % 2
            pltpu.make_async_copy(eidx.at[c, pl.ds(base, g)],
                                  gidx.at[nslot], sem_i).wait()
            pltpu.make_async_copy(eidx.at[1 - c, pl.ds(base, g)],
                                  sidx.at[nslot], sem_i).wait()

        pltpu.make_async_copy(table.at[gidx.at[slot, pos]], rows.at[buf],
                              sem_g).wait()
        pltpu.async_copy(rows.at[buf], acc.at[sidx.at[slot, pos]], sem_s,
                         add=True)

        @pl.when(i >= LAG)
        def _():
            pltpu.make_async_copy(
                rows.at[(i - LAG) % nb],
                acc.at[sidx.at[((i - LAG) // g) % 2, (i - LAG) % g]],
                sem_s).wait()

        @pl.when(jnp.logical_and(pos == LAG,
                                 jnp.logical_and(grp > 0, grp + 1 < ng)))
        def _():
            nbase = base + (grp + 1) * g
            pltpu.async_copy(eidx.at[c, pl.ds(nbase, g)],
                             gidx.at[(grp + 1) % 2], sem_i)
            pltpu.async_copy(eidx.at[1 - c, pl.ds(nbase, g)],
                             sidx.at[(grp + 1) % 2], sem_i)

        nxt = i + nb - LAG

        @pl.when(jnp.logical_and(i >= LAG, nxt < chunks))
        def _():
            pltpu.async_copy(table.at[gidx.at[(nxt // g) % 2, nxt % g]],
                             rows.at[(i - LAG) % nb], sem_g)
        return 0
    lax.fori_loop(0, chunks, step, 0)
    for t in range(LAG):
        j = chunks - LAG + t
        pltpu.make_async_copy(
            rows.at[j % nb],
            acc.at[sidx.at[(j // g) % 2, j % g]], sem_s).wait()

    plsc.subcore_barrier()

    pltpu.sync_copy(acc.at[pl.ds(s * RPT, RPT)],
                    out.at[c, pl.ds(s * RPT, RPT)])


def _counts_body(eidx, out, acc, sidx, onesb, zbuf, sem_s, sem_i, *, cw, g):
    chunks = E // (NS * cw)
    ng = chunks // g
    c = lax.axis_index("c")
    s = lax.axis_index("s")
    base = s * chunks
    W = 8

    def fill(t, _):
        onesb[t, pl.ds(0, 16)] = jnp.ones((16,), jnp.float32)
        zbuf[t, pl.ds(0, 16)] = jnp.zeros((16,), jnp.float32)
        return 0
    lax.fori_loop(0, cw, fill, 0)
    for k in range(RPT // cw):
        pltpu.sync_copy(zbuf.at[pl.ds(0, cw)],
                        acc.at[pl.ds(s * RPT + k * cw, cw)])
    if RPT % cw:
        pltpu.sync_copy(zbuf.at[pl.ds(0, RPT % cw)],
                        acc.at[pl.ds(s * RPT + (RPT // cw) * cw, RPT % cw)])

    pltpu.sync_copy(eidx.at[1 - c, pl.ds(base, g)], sidx.at[0])
    if chunks > g:
        pltpu.async_copy(eidx.at[1 - c, pl.ds(base + g, g)], sidx.at[1], sem_i)

    plsc.subcore_barrier()

    def step(i, _):
        grp = i // g
        pos = i % g
        slot = grp % 3

        @pl.when(jnp.logical_and(pos == g - 1, grp + 1 < ng))
        def _():
            pltpu.make_async_copy(eidx.at[1 - c, pl.ds(base, g)],
                                  sidx.at[(grp + 1) % 3], sem_i).wait()

        pltpu.async_copy(onesb, acc.at[sidx.at[slot, pos]], sem_s, add=True)

        @pl.when(i >= W)
        def _():
            pltpu.make_async_copy(onesb, acc.at[sidx.at[slot, pos]],
                                  sem_s).wait()

        @pl.when(jnp.logical_and(pos == 0,
                                 jnp.logical_and(grp > 0, grp + 1 < ng)))
        def _():
            nbase = base + (grp + 1) * g
            pltpu.async_copy(eidx.at[1 - c, pl.ds(nbase, g)],
                             sidx.at[(grp + 1) % 3], sem_i)
        return 0
    lax.fori_loop(0, chunks, step, 0)
    for _ in range(W):
        pltpu.make_async_copy(onesb, acc.at[sidx.at[0, 0]], sem_s).wait()

    plsc.subcore_barrier()
    pltpu.sync_copy(acc.at[pl.ds(s * RPT, RPT)],
                    out.at[c, pl.ds(s * RPT, RPT)])


@jax.jit
def _counts(eidx):
    mesh = plsc.VectorSubcoreMesh(core_axis_name="c", subcore_axis_name="s",
                                  num_cores=NC, num_subcores=NS)
    f = pl.kernel(
        functools.partial(_counts_body, cw=CW, g=25),
        out_type=jax.ShapeDtypeStruct((2, N, 16), jnp.float32),
        mesh=mesh,
        scratch_types=[
            pltpu.VMEM_SHARED((N, 16), jnp.float32),
            pltpu.VMEM((3, 25, CW), jnp.int32),
            pltpu.VMEM((CW, 16), jnp.float32),
            pltpu.VMEM((CW, 16), jnp.float32),
            pltpu.SemaphoreType.DMA,
            pltpu.SemaphoreType.DMA,
        ],
        compiler_params=pltpu.CompilerParams(use_tc_tiling_on_sc=False),
    )
    return f(eidx)


@functools.partial(jax.jit, static_argnames=("dp", "nb", "cw", "g"))
def _segsum(table, eidx, *, dp, nb, cw, g):
    mesh = plsc.VectorSubcoreMesh(core_axis_name="c", subcore_axis_name="s",
                                  num_cores=NC, num_subcores=NS)
    f = pl.kernel(
        functools.partial(_segsum_body, dp=dp, nb=nb, cw=cw, g=g),
        out_type=jax.ShapeDtypeStruct((2, N, dp), jnp.float32),
        mesh=mesh,
        scratch_types=[
            pltpu.VMEM_SHARED((N, dp), jnp.float32),
            pltpu.VMEM((2, g, cw), jnp.int32),
            pltpu.VMEM((2, g, cw), jnp.int32),
            pltpu.VMEM((nb, cw, dp), jnp.float32),
            pltpu.SemaphoreType.DMA,
            pltpu.SemaphoreType.DMA,
            pltpu.SemaphoreType.DMA,
        ],
        compiler_params=pltpu.CompilerParams(use_tc_tiling_on_sc=False),
    )
    return f(table, eidx)


def _dense_body(sums_f, sums_b, cnt_f, cnt_b, xin, wl, wlt, wr, wrt, b, bt,
                out):
    sf = sums_f[0]
    sb = sums_b[0]
    mf = sf / jnp.maximum(cnt_f[0][:, 0:1], 1.0)
    mb = sb / jnp.maximum(cnt_b[0][:, 0:1], 1.0)
    xs = xin[...]
    w_self = wr[...] + wrt[...]
    out[...] = (jnp.dot(mf, wl[...], preferred_element_type=jnp.float32)
                + jnp.dot(mb, wlt[...], preferred_element_type=jnp.float32)
                + jnp.dot(xs, w_self, preferred_element_type=jnp.float32)
                + b[...] + bt[...])


@jax.jit
def _dense(sums, cnts, xin, wl, wlt, wr, wrt, b, bt):
    blk = 1000
    grid = (N // blk,)
    return pl.pallas_call(
        _dense_body,
        grid=grid,
        in_specs=[
            pl.BlockSpec((1, blk, D), lambda i: (0, i, 0)),
            pl.BlockSpec((1, blk, D), lambda i: (1, i, 0)),
            pl.BlockSpec((1, blk, 16), lambda i: (0, i, 0)),
            pl.BlockSpec((1, blk, 16), lambda i: (1, i, 0)),
            pl.BlockSpec((blk, D), lambda i: (i, 0)),
            pl.BlockSpec((D, D), lambda i: (0, 0)),
            pl.BlockSpec((D, D), lambda i: (0, 0)),
            pl.BlockSpec((D, D), lambda i: (0, 0)),
            pl.BlockSpec((D, D), lambda i: (0, 0)),
            pl.BlockSpec((1, D), lambda i: (0, 0)),
            pl.BlockSpec((1, D), lambda i: (0, 0)),
        ],
        out_specs=pl.BlockSpec((blk, D), lambda i: (i, 0)),
        out_shape=jax.ShapeDtypeStruct((N, D), jnp.float32),
    )(sums, sums, cnts, cnts, xin, wl, wlt, wr, wrt, b, bt)


def kernel(x, edge_index, Wl_1, Wr_1, b_1, Wl_1T, Wr_1T, b_1T,
           Wl_2, Wr_2, b_2, Wl_2T, Wr_2T, b_2T):
    ei = edge_index.astype(jnp.int32).reshape(2, E // CW, CW)
    b_1 = b_1.reshape(1, D)
    b_1T = b_1T.reshape(1, D)
    b_2 = b_2.reshape(1, D)
    b_2T = b_2T.reshape(1, D)

    cnts = _counts(ei)
    sums1 = _segsum(x, ei, dp=D, nb=4, cw=CW, g=25)
    h = _dense(sums1, cnts, x, Wl_1, Wl_1T, Wr_1, Wr_1T, b_1, b_1T)
    sums2 = _segsum(h, ei, dp=D, nb=4, cw=CW, g=25)
    out = _dense(sums2, cnts, h, Wl_2, Wl_2T, Wr_2, Wr_2T, b_2, b_2T)
    return out

# --- scband reference (transcript-rebuilt; emitter-appended) ---
"""Pipeline reference for scband-gnn-4741643895562 (READ-ONLY COPY).

The authoritative reference and input builder live on the scoring server;
editing this copy changes nothing except your own understanding.
"""

import jax, jax.numpy as jnp
import numpy as np

N_NODES = 10000
N_EDGES = 320000
D = 128


def _sage(x, src, dst, Wl, Wr, b, n_nodes):
    # SAGEConv with aggr='mean', project=False, root_weight=True
    msg = x[src]
    agg = jax.ops.segment_sum(msg, dst, num_segments=n_nodes)
    cnt = jax.ops.segment_sum(jnp.ones((src.shape[0], 1), x.dtype), dst, num_segments=n_nodes)
    mean = agg / jnp.maximum(cnt, 1.0)
    return mean @ Wl + x @ Wr + b


def setup_inputs(seed: int = 0) -> dict:
    key = jax.random.key(seed)
    ks = jax.random.split(key, 16)
    x = jax.random.normal(ks[0], (N_NODES, D), dtype=jnp.float32)
    edge_index = jax.random.randint(ks[1], (2, N_EDGES), 0, N_NODES, dtype=jnp.int64)
    s = 1.0 / np.sqrt(D)
    params = {}
    names = ['1', '1T', '2', '2T']
    for i, nm in enumerate(names):
        params['Wl_' + nm] = jax.random.uniform(ks[2 + 3 * i], (D, D), jnp.float32, -s, s)
        params['Wr_' + nm] = jax.random.uniform(ks[3 + 3 * i], (D, D), jnp.float32, -s, s)
        params['b_' + nm] = jax.random.uniform(ks[4 + 3 * i], (D,), jnp.float32, -s, s)
    out = {'x': x, 'edge_index': edge_index}
    out.update(params)
    return out


def reference(x, edge_index, Wl_1, Wr_1, b_1, Wl_1T, Wr_1T, b_1T, Wl_2, Wr_2, b_2, Wl_2T, Wr_2T, b_2T):
    n = x.shape[0]
    src, dst = edge_index[0], edge_index[1]
    # layer 1: conv_1(x, edge_index) + conv_1_T(x, edge_index.flip(0))
    h = _sage(x, src, dst, Wl_1, Wr_1, b_1, n) + _sage(x, dst, src, Wl_1T, Wr_1T, b_1T, n)
    # layer 2
    h = _sage(h, src, dst, Wl_2, Wr_2, b_2, n) + _sage(h, dst, src, Wl_2T, Wr_2T, b_2T, n)
    return h

if __name__ == "__main__":
    import jax
    _d = setup_inputs()
    print(jax.jit(kernel)(*tuple(_d.values())))

</pallas_src>

<mosaic_0001>
#map = affine_map<(d0, d1) -> (0, 0, 0)>
module attributes {stable_mosaic.version = 14 : i64} {
  func.func @_counts_body(%arg0: i32, %arg1: i32, %arg2: memref<2x4000x80xi32, #tpu.memory_space<hbm>>, %arg3: memref<2x10000x16xf32, #tpu.memory_space<hbm>>, %arg4: memref<10000x16xf32, #tpu.memory_space<vmem_shared>>, %arg5: memref<3x25x80xi32, #tpu.memory_space<vmem>>, %arg6: memref<80x16xf32, #tpu.memory_space<vmem>>, %arg7: memref<80x16xf32, #tpu.memory_space<vmem>>, %arg8: memref<!tpu.dma_semaphore, #tpu.memory_space<semaphore_mem>>, %arg9: memref<!tpu.dma_semaphore, #tpu.memory_space<semaphore_mem>>) attributes {dimension_semantics = [#tpu.dimension_semantics<core_parallel>, #tpu.dimension_semantics<subcore_parallel>], iteration_bounds = array<i64: 2, 16>, scalar_prefetch = 0 : i64, scratch_operands = 6 : i64, tpu.core_type = #tpu.core_type<sc_vector_subcore>, window_params = [{transform_indices = #map}, {transform_indices = #map}]} {
    %mul3A = arith.constant 250 : i32
    %mul3A_0 = arith.muli %arg1, %mul3A : i32
    %scan3A = arith.constant 0 : i32
    %scan3A_1 = arith.constant 0 : i32
    %scan3A_2 = arith.constant 80 : i32
    %scan3A_3 = arith.addi %scan3A_1, %scan3A_2 : i32
    %scan3A_4 = arith.constant 1 : i32
    %scan3A_5 = scf.for %scan3A_132 = %scan3A_1 to %scan3A_3 step %scan3A_4 iter_args(%scan3A_133 = %scan3A) -> (i32)  : i32 {
      %broadcast_in_dim3A = arith.constant 1.000000e+00 : f32
      %broadcast_in_dim3A_134 = vector.broadcast %broadcast_in_dim3A : f32 to vector<16xf32>
      %swap3A = arith.index_cast %scan3A_132 : i32 to index
      %swap3A_135 = arith.constant 0 : index
      %swap3A_136 = tpu.vector_load %arg6[%swap3A, %swap3A_135] {strides = array<i32>} : memref<80x16xf32, #tpu.memory_space<vmem>>, vector<1x16xf32>,
      %swap3A_137 = vector.shape_cast %swap3A_136 : vector<1x16xf32> to vector<16xf32>
      %swap3A_138 = vector.shape_cast %broadcast_in_dim3A_134 : vector<16xf32> to vector<1x16xf32>
      tpu.vector_store %arg6[%swap3A, %swap3A_135], %swap3A_138 {strides = array<i32>} : memref<80x16xf32, #tpu.memory_space<vmem>>, vector<1x16xf32>,
      %broadcast_in_dim3A_139 = arith.constant 0.000000e+00 : f32
      %broadcast_in_dim3A_140 = vector.broadcast %broadcast_in_dim3A_139 : f32 to vector<16xf32>
      %swap3A_141 = arith.index_cast %scan3A_132 : i32 to index
      %swap3A_142 = arith.constant 0 : index
      %swap3A_143 = tpu.vector_load %arg7[%swap3A_141, %swap3A_142] {strides = array<i32>} : memref<80x16xf32, #tpu.memory_space<vmem>>, vector<1x16xf32>,
      %swap3A_144 = vector.shape_cast %swap3A_143 : vector<1x16xf32> to vector<16xf32>
      %swap3A_145 = vector.shape_cast %broadcast_in_dim3A_140 : vector<16xf32> to vector<1x16xf32>
      tpu.vector_store %arg7[%swap3A_141, %swap3A_142], %swap3A_145 {strides = array<i32>} : memref<80x16xf32, #tpu.memory_space<vmem>>, vector<1x16xf32>,
      %scan3A_146 = arith.constant 0 : i32
      scf.yield %scan3A_146 : i32
    }
    %scan3A_6 = arith.constant 80 : i32
    %mul3A_7 = arith.constant 625 : i32
    %mul3A_8 = arith.muli %arg1, %mul3A_7 : i32
    %add3A = arith.constant 0 : i32
    %add3A_9 = arith.addi %mul3A_8, %add3A : i32
    "tpu.region"() ({
      %run_scoped3A_132 = tpu.sem_alloc : memref<!tpu.dma_semaphore, #tpu.memory_space<semaphore_mem>>
      %dma_start3A_133 = arith.constant 0 : i32
      %dma_start3A_134 = arith.constant 0 : i32
      %dma_start3A_135 = tpu.memref_slice %arg7[%dma_start3A_133, %dma_start3A_134] : memref<80x16xf32, #tpu.memory_space<vmem>> -> memref<80x16xf32, #tpu.memory_space<vmem>>
      %dma_start3A_136 = arith.constant 0 : i32
      %dma_start3A_137 = tpu.memref_slice %arg4[%add3A_9, %dma_start3A_136] : memref<10000x16xf32, #tpu.memory_space<vmem_shared>> -> memref<80x16xf32, #tpu.memory_space<vmem_shared>>
      %dma_start3A_138 = arith.constant 0 : i32
      %dma_start3A_139 = tpu.memref_slice %arg4[%add3A_9, %dma_start3A_138] : memref<10000x16xf32, #tpu.memory_space<vmem_shared>> -> memref<80x16xf32, #tpu.memory_space<vmem_shared>>
      %dma_start3A_140 = arith.constant 0 : i32
      %dma_start3A_141 = arith.constant 0 : i32
      %dma_start3A_142 = tpu.memref_slice %arg7[%dma_start3A_140, %dma_start3A_141] : memref<80x16xf32, #tpu.memory_space<vmem>> -> memref<80x16xf32, #tpu.memory_space<vmem>>
      tpu.enqueue_dma source(%dma_start3A_142 : memref<80x16xf32, #tpu.memory_space<vmem>>) target(%dma_start3A_139 : memref<80x16xf32, #tpu.memory_space<vmem_shared>>) target_semaphore(%run_scoped3A_132 : memref<!tpu.dma_semaphore, #tpu.memory_space<semaphore_mem>>)
      %dma_wait3A_143 = arith.constant 0 : i32
      %dma_wait3A_144 = arith.constant 0 : i32
      %dma_wait3A_145 = tpu.memref_slice %arg7[%dma_wait3A_143, %dma_wait3A_144] : memref<80x16xf32, #tpu.memory_space<vmem>> -> memref<80x16xf32, #tpu.memory_space<vmem>>
      %dma_wait3A_146 = arith.constant 0 : i32
      %dma_wait3A_147 = tpu.memref_slice %arg4[%add3A_9, %dma_wait3A_146] : memref<10000x16xf32, #tpu.memory_space<vmem_shared>> -> memref<80x16xf32, #tpu.memory_space<vmem_shared>>
      %dma_wait3A_148 = arith.constant 0 : i32
      %dma_wait3A_149 = tpu.memref_slice %arg4[%add3A_9, %dma_wait3A_148] : memref<10000x16xf32, #tpu.memory_space<vmem_shared>> -> memref<80x16xf32, #tpu.memory_space<vmem_shared>>
      %dma_wait3A_150 = arith.constant 0 : i32
      %dma_wait3A_151 = arith.constant 0 : i32
      %dma_wait3A_152 = tpu.memref_slice %arg7[%dma_wait3A_150, %dma_wait3A_151] : memref<80x16xf32, #tpu.memory_space<vmem>> -> memref<80x16xf32, #tpu.memory_space<vmem>>
      tpu.wait_dma2 semaphore(%run_scoped3A_132 : memref<!tpu.dma_semaphore, #tpu.memory_space<semaphore_mem>>) src(%dma_wait3A_152 : memref<80x16xf32, #tpu.memory_space<vmem>>) dst(%dma_wait3A_149 : memref<80x16xf32, #tpu.memory_space<vmem_shared>>)
      tpu.yield
    }) : () -> ()
    %mul3A_10 = arith.constant 625 : i32
    %mul3A_11 = arith.muli %arg1, %mul3A_10 : i32
    %add3A_12 = arith.constant 80 : i32
    %add3A_13 = arith.addi %mul3A_11, %add3A_12 : i32
    "tpu.region"() ({
      %run_scoped3A_132 = tpu.sem_alloc : memref<!tpu.dma_semaphore, #tpu.memory_space<semaphore_mem>>
      %dma_start3A_133 = arith.constant 0 : i32
      %dma_start3A_134 = arith.constant 0 : i32
      %dma_start3A_135 = tpu.memref_slice %arg7[%dma_start3A_133, %dma_start3A_134] : memref<80x16xf32, #tpu.memory_space<vmem>> -> memref<80x16xf32, #tpu.memory_space<vmem>>
      %dma_start3A_136 = arith.constant 0 : i32
      %dma_start3A_137 = tpu.memref_slice %arg4[%add3A_13, %dma_start3A_136] : memref<10000x16xf32, #tpu.memory_space<vmem_shared>> -> memref<80x16xf32, #tpu.memory_space<vmem_shared>>
      %dma_start3A_138 = arith.constant 0 : i32
      %dma_start3A_139 = tpu.memref_slice %arg4[%add3A_13, %dma_start3A_138] : memref<10000x16xf32, #tpu.memory_space<vmem_shared>> -> memref<80x16xf32, #tpu.memory_space<vmem_shared>>
      %dma_start3A_140 = arith.constant 0 : i32
      %dma_start3A_141 = arith.constant 0 : i32
      %dma_start3A_142 = tpu.memref_slice %arg7[%dma_start3A_140, %dma_start3A_141] : memref<80x16xf32, #tpu.memory_space<vmem>> -> memref<80x16xf32, #tpu.memory_space<vmem>>
      tpu.enqueue_dma source(%dma_start3A_142 : memref<80x16xf32, #tpu.memory_space<vmem>>) target(%dma_start3A_139 : memref<80x16xf32, #tpu.memory_space<vmem_shared>>) target_semaphore(%run_scoped3A_132 : memref<!tpu.dma_semaphore, #tpu.memory_space<semaphore_mem>>)
      %dma_wait3A_143 = arith.constant 0 : i32
      %dma_wait3A_144 = arith.constant 0 : i32
      %dma_wait3A_145 = tpu.memref_slice %arg7[%dma_wait3A_143, %dma_wait3A_144] : memref<80x16xf32, #tpu.memory_space<vmem>> -> memref<80x16xf32, #tpu.memory_space<vmem>>
      %dma_wait3A_146 = arith.constant 0 : i32
      %dma_wait3A_147 = tpu.memref_slice %arg4[%add3A_13, %dma_wait3A_146] : memref<10000x16xf32, #tpu.memory_space<vmem_shared>> -> memref<80x16xf32, #tpu.memory_space<vmem_shared>>
      %dma_wait3A_148 = arith.constant 0 : i32
      %dma_wait3A_149 = tpu.memref_slice %arg4[%add3A_13, %dma_wait3A_148] : memref<10000x16xf32, #tpu.memory_space<vmem_shared>> -> memref<80x16xf32, #tpu.memory_space<vmem_shared>>
      %dma_wait3A_150 = arith.constant 0 : i32
      %dma_wait3A_151 = arith.constant 0 : i32
      %dma_wait3A_152 = tpu.memref_slice %arg7[%dma_wait3A_150, %dma_wait3A_151] : memref<80x16xf32, #tpu.memory_space<vmem>> -> memref<80x16xf32, #tpu.memory_space<vmem>>
      tpu.wait_dma2 semaphore(%run_scoped3A_132 : memref<!tpu.dma_semaphore, #tpu.memory_space<semaphore_mem>>) src(%dma_wait3A_152 : memref<80x16xf32, #tpu.memory_space<vmem>>) dst(%dma_wait3A_149 : memref<80x16xf32, #tpu.memory_space<vmem_shared>>)
      tpu.yield
    }) : () -> ()
    %mul3A_14 = arith.constant 625 : i32
    %mul3A_15 = arith.muli %arg1, %mul3A_14 : i32
    %add3A_16 = arith.constant 160 : i32
    %add3A_17 = arith.addi %mul3A_15, %add3A_16 : i32
    "tpu.region"() ({
      %run_scoped3A_132 = tpu.sem_alloc : memref<!tpu.dma_semaphore, #tpu.memory_space<semaphore_mem>>
      %dma_start3A_133 = arith.constant 0 : i32
      %dma_start3A_134 = arith.constant 0 : i32
      %dma_start3A_135 = tpu.memref_slice %arg7[%dma_start3A_133, %dma_start3A_134] : memref<80x16xf32, #tpu.memory_space<vmem>> -> memref<80x16xf32, #tpu.memory_space<vmem>>
      %dma_start3A_136 = arith.constant 0 : i32
      %dma_start3A_137 = tpu.memref_slice %arg4[%add3A_17, %dma_start3A_136] : memref<10000x16xf32, #tpu.memory_space<vmem_shared>> -> memref<80x16xf32, #tpu.memory_space<vmem_shared>>
      %dma_start3A_138 = arith.constant 0 : i32
      %dma_start3A_139 = tpu.memref_slice %arg4[%add3A_17, %dma_start3A_138] : memref<10000x16xf32, #tpu.memory_space<vmem_shared>> -> memref<80x16xf32, #tpu.memory_space<vmem_shared>>
      %dma_start3A_140 = arith.constant 0 : i32
      %dma_start3A_141 = arith.constant 0 : i32
      %dma_start3A_142 = tpu.memref_slice %arg7[%dma_start3A_140, %dma_start3A_141] : memref<80x16xf32, #tpu.memory_space<vmem>> -> memref<80x16xf32, #tpu.memory_space<vmem>>
      tpu.enqueue_dma source(%dma_start3A_142 : memref<80x16xf32, #tpu.memory_space<vmem>>) target(%dma_start3A_139 : memref<80x16xf32, #tpu.memory_space<vmem_shared>>) target_semaphore(%run_scoped3A_132 : memref<!tpu.dma_semaphore, #tpu.memory_space<semaphore_mem>>)
      %dma_wait3A_143 = arith.constant 0 : i32
      %dma_wait3A_144 = arith.constant 0 : i32
      %dma_wait3A_145 = tpu.memref_slice %arg7[%dma_wait3A_143, %dma_wait3A_144] : memref<80x16xf32, #tpu.memory_space<vmem>> -> memref<80x16xf32, #tpu.memory_space<vmem>>
      %dma_wait3A_146 = arith.constant 0 : i32
      %dma_wait3A_147 = tpu.memref_slice %arg4[%add3A_17, %dma_wait3A_146] : memref<10000x16xf32, #tpu.memory_space<vmem_shared>> -> memref<80x16xf32, #tpu.memory_space<vmem_shared>>
      %dma_wait3A_148 = arith.constant 0 : i32
      %dma_wait3A_149 = tpu.memref_slice %arg4[%add3A_17, %dma_wait3A_148] : memref<10000x16xf32, #tpu.memory_space<vmem_shared>> -> memref<80x16xf32, #tpu.memory_space<vmem_shared>>
      %dma_wait3A_150 = arith.constant 0 : i32
      %dma_wait3A_151 = arith.constant 0 : i32
      %dma_wait3A_152 = tpu.memref_slice %arg7[%dma_wait3A_150, %dma_wait3A_151] : memref<80x16xf32, #tpu.memory_space<vmem>> -> memref<80x16xf32, #tpu.memory_space<vmem>>
      tpu.wait_dma2 semaphore(%run_scoped3A_132 : memref<!tpu.dma_semaphore, #tpu.memory_space<semaphore_mem>>) src(%dma_wait3A_152 : memref<80x16xf32, #tpu.memory_space<vmem>>) dst(%dma_wait3A_149 : memref<80x16xf32, #tpu.memory_space<vmem_shared>>)
      tpu.yield
    }) : () -> ()
    %mul3A_18 = arith.constant 625 : i32
    %mul3A_19 = arith.muli %arg1, %mul3A_18 : i32
    %add3A_20 = arith.constant 240 : i32
    %add3A_21 = arith.addi %mul3A_19, %add3A_20 : i32
    "tpu.region"() ({
      %run_scoped3A_132 = tpu.sem_alloc : memref<!tpu.dma_semaphore, #tpu.memory_space<semaphore_mem>>
      %dma_start3A_133 = arith.constant 0 : i32
      %dma_start3A_134 = arith.constant 0 : i32
      %dma_start3A_135 = tpu.memref_slice %arg7[%dma_start3A_133, %dma_start3A_134] : memref<80x16xf32, #tpu.memory_space<vmem>> -> memref<80x16xf32, #tpu.memory_space<vmem>>
      %dma_start3A_136 = arith.constant 0 : i32
      %dma_start3A_137 = tpu.memref_slice %arg4[%add3A_21, %dma_start3A_136] : memref<10000x16xf32, #tpu.memory_space<vmem_shared>> -> memref<80x16xf32, #tpu.memory_space<vmem_shared>>
      %dma_start3A_138 = arith.constant 0 : i32
      %dma_start3A_139 = tpu.memref_slice %arg4[%add3A_21, %dma_start3A_138] : memref<10000x16xf32, #tpu.memory_space<vmem_shared>> -> memref<80x16xf32, #tpu.memory_space<vmem_shared>>
      %dma_start3A_140 = arith.constant 0 : i32
      %dma_start3A_141 = arith.constant 0 : i32
      %dma_start3A_142 = tpu.memref_slice %arg7[%dma_start3A_140, %dma_start3A_141] : memref<80x16xf32, #tpu.memory_space<vmem>> -> memref<80x16xf32, #tpu.memory_space<vmem>>
      tpu.enqueue_dma source(%dma_start3A_142 : memref<80x16xf32, #tpu.memory_space<vmem>>) target(%dma_start3A_139 : memref<80x16xf32, #tpu.memory_space<vmem_shared>>) target_semaphore(%run_scoped3A_132 : memref<!tpu.dma_semaphore, #tpu.memory_space<semaphore_mem>>)
      %dma_wait3A_143 = arith.constant 0 : i32
      %dma_wait3A_144 = arith.constant 0 : i32
      %dma_wait3A_145 = tpu.memref_slice %arg7[%dma_wait3A_143, %dma_wait3A_144] : memref<80x16xf32, #tpu.memory_space<vmem>> -> memref<80x16xf32, #tpu.memory_space<vmem>>
      %dma_wait3A_146 = arith.constant 0 : i32
      %dma_wait3A_147 = tpu.memref_slice %arg4[%add3A_21, %dma_wait3A_146] : memref<10000x16xf32, #tpu.memory_space<vmem_shared>> -> memref<80x16xf32, #tpu.memory_space<vmem_shared>>
      %dma_wait3A_148 = arith.constant 0 : i32
      %dma_wait3A_149 = tpu.memref_slice %arg4[%add3A_21, %dma_wait3A_148] : memref<10000x16xf32, #tpu.memory_space<vmem_shared>> -> memref<80x16xf32, #tpu.memory_space<vmem_shared>>
      %dma_wait3A_150 = arith.constant 0 : i32
      %dma_wait3A_151 = arith.constant 0 : i32
      %dma_wait3A_152 = tpu.memref_slice %arg7[%dma_wait3A_150, %dma_wait3A_151] : memref<80x16xf32, #tpu.memory_space<vmem>> -> memref<80x16xf32, #tpu.memory_space<vmem>>
      tpu.wait_dma2 semaphore(%run_scoped3A_132 : memref<!tpu.dma_semaphore, #tpu.memory_space<semaphore_mem>>) src(%dma_wait3A_152 : memref<80x16xf32, #tpu.memory_space<vmem>>) dst(%dma_wait3A_149 : memref<80x16xf32, #tpu.memory_space<vmem_shared>>)
      tpu.yield
    }) : () -> ()
    %mul3A_22 = arith.constant 625 : i32
    %mul3A_23 = arith.muli %arg1, %mul3A_22 : i32
    %add3A_24 = arith.constant 320 : i32
    %add3A_25 = arith.addi %mul3A_23, %add3A_24 : i32
    "tpu.region"() ({
      %run_scoped3A_132 = tpu.sem_alloc : memref<!tpu.dma_semaphore, #tpu.memory_space<semaphore_mem>>
      %dma_start3A_133 = arith.constant 0 : i32
      %dma_start3A_134 = arith.constant 0 : i32
      %dma_start3A_135 = tpu.memref_slice %arg7[%dma_start3A_133, %dma_start3A_134] : memref<80x16xf32, #tpu.memory_space<vmem>> -> memref<80x16xf32, #tpu.memory_space<vmem>>
      %dma_start3A_136 = arith.constant 0 : i32
      %dma_start3A_137 = tpu.memref_slice %arg4[%add3A_25, %dma_start3A_136] : memref<10000x16xf32, #tpu.memory_space<vmem_shared>> -> memref<80x16xf32, #tpu.memory_space<vmem_shared>>
      %dma_start3A_138 = arith.constant 0 : i32
      %dma_start3A_139 = tpu.memref_slice %arg4[%add3A_25, %dma_start3A_138] : memref<10000x16xf32, #tpu.memory_space<vmem_shared>> -> memref<80x16xf32, #tpu.memory_space<vmem_shared>>
      %dma_start3A_140 = arith.constant 0 : i32
      %dma_start3A_141 = arith.constant 0 : i32
      %dma_start3A_142 = tpu.memref_slice %arg7[%dma_start3A_140, %dma_start3A_141] : memref<80x16xf32, #tpu.memory_space<vmem>> -> memref<80x16xf32, #tpu.memory_space<vmem>>
      tpu.enqueue_dma source(%dma_start3A_142 : memref<80x16xf32, #tpu.memory_space<vmem>>) target(%dma_start3A_139 : memref<80x16xf32, #tpu.memory_space<vmem_shared>>) target_semaphore(%run_scoped3A_132 : memref<!tpu.dma_semaphore, #tpu.memory_space<semaphore_mem>>)
      %dma_wait3A_143 = arith.constant 0 : i32
      %dma_wait3A_144 = arith.constant 0 : i32
      %dma_wait3A_145 = tpu.memref_slice %arg7[%dma_wait3A_143, %dma_wait3A_144] : memref<80x16xf32, #tpu.memory_space<vmem>> -> memref<80x16xf32, #tpu.memory_space<vmem>>
      %dma_wait3A_146 = arith.constant 0 : i32
      %dma_wait3A_147 = tpu.memref_slice %arg4[%add3A_25, %dma_wait3A_146] : memref<10000x16xf32, #tpu.memory_space<vmem_shared>> -> memref<80x16xf32, #tpu.memory_space<vmem_shared>>
      %dma_wait3A_148 = arith.constant 0 : i32
      %dma_wait3A_149 = tpu.memref_slice %arg4[%add3A_25, %dma_wait3A_148] : memref<10000x16xf32, #tpu.memory_space<vmem_shared>> -> memref<80x16xf32, #tpu.memory_space<vmem_shared>>
      %dma_wait3A_150 = arith.constant 0 : i32
      %dma_wait3A_151 = arith.constant 0 : i32
      %dma_wait3A_152 = tpu.memref_slice %arg7[%dma_wait3A_150, %dma_wait3A_151] : memref<80x16xf32, #tpu.memory_space<vmem>> -> memref<80x16xf32, #tpu.memory_space<vmem>>
      tpu.wait_dma2 semaphore(%run_scoped3A_132 : memref<!tpu.dma_semaphore, #tpu.memory_space<semaphore_mem>>) src(%dma_wait3A_152 : memref<80x16xf32, #tpu.memory_space<vmem>>) dst(%dma_wait3A_149 : memref<80x16xf32, #tpu.memory_space<vmem_shared>>)
      tpu.yield
    }) : () -> ()
    %mul3A_26 = arith.constant 625 : i32
    %mul3A_27 = arith.muli %arg1, %mul3A_26 : i32
    %add3A_28 = arith.constant 400 : i32
    %add3A_29 = arith.addi %mul3A_27, %add3A_28 : i32
    "tpu.region"() ({
      %run_scoped3A_132 = tpu.sem_alloc : memref<!tpu.dma_semaphore, #tpu.memory_space<semaphore_mem>>
      %dma_start3A_133 = arith.constant 0 : i32
      %dma_start3A_134 = arith.constant 0 : i32
      %dma_start3A_135 = tpu.memref_slice %arg7[%dma_start3A_133, %dma_start3A_134] : memref<80x16xf32, #tpu.memory_space<vmem>> -> memref<80x16xf32, #tpu.memory_space<vmem>>
      %dma_start3A_136 = arith.constant 0 : i32
      %dma_start3A_137 = tpu.memref_slice %arg4[%add3A_29, %dma_start3A_136] : memref<10000x16xf32, #tpu.memory_space<vmem_shared>> -> memref<80x16xf32, #tpu.memory_space<vmem_shared>>
      %dma_start3A_138 = arith.constant 0 : i32
      %dma_start3A_139 = tpu.memref_slice %arg4[%add3A_29, %dma_start3A_138] : memref<10000x16xf32, #tpu.memory_space<vmem_shared>> -> memref<80x16xf32, #tpu.memory_space<vmem_shared>>
      %dma_start3A_140 = arith.constant 0 : i32
      %dma_start3A_141 = arith.constant 0 : i32
      %dma_start3A_142 = tpu.memref_slice %arg7[%dma_start3A_140, %dma_start3A_141] : memref<80x16xf32, #tpu.memory_space<vmem>> -> memref<80x16xf32, #tpu.memory_space<vmem>>
      tpu.enqueue_dma source(%dma_start3A_142 : memref<80x16xf32, #tpu.memory_space<vmem>>) target(%dma_start3A_139 : memref<80x16xf32, #tpu.memory_space<vmem_shared>>) target_semaphore(%run_scoped3A_132 : memref<!tpu.dma_semaphore, #tpu.memory_space<semaphore_mem>>)
      %dma_wait3A_143 = arith.constant 0 : i32
      %dma_wait3A_144 = arith.constant 0 : i32
      %dma_wait3A_145 = tpu.memref_slice %arg7[%dma_wait3A_143, %dma_wait3A_144] : memref<80x16xf32, #tpu.memory_space<vmem>> -> memref<80x16xf32, #tpu.memory_space<vmem>>
      %dma_wait3A_146 = arith.constant 0 : i32
      %dma_wait3A_147 = tpu.memref_slice %arg4[%add3A_29, %dma_wait3A_146] : memref<10000x16xf32, #tpu.memory_space<vmem_shared>> -> memref<80x16xf32, #tpu.memory_space<vmem_shared>>
      %dma_wait3A_148 = arith.constant 0 : i32
      %dma_wait3A_149 = tpu.memref_slice %arg4[%add3A_29, %dma_wait3A_148] : memref<10000x16xf32, #tpu.memory_space<vmem_shared>> -> memref<80x16xf32, #tpu.memory_space<vmem_shared>>
      %dma_wait3A_150 = arith.constant 0 : i32
      %dma_wait3A_151 = arith.constant 0 : i32
      %dma_wait3A_152 = tpu.memref_slice %arg7[%dma_wait3A_150, %dma_wait3A_151] : memref<80x16xf32, #tpu.memory_space<vmem>> -> memref<80x16xf32, #tpu.memory_space<vmem>>
      tpu.wait_dma2 semaphore(%run_scoped3A_132 : memref<!tpu.dma_semaphore, #tpu.memory_space<semaphore_mem>>) src(%dma_wait3A_152 : memref<80x16xf32, #tpu.memory_space<vmem>>) dst(%dma_wait3A_149 : memref<80x16xf32, #tpu.memory_space<vmem_shared>>)
      tpu.yield
    }) : () -> ()
    %mul3A_30 = arith.constant 625 : i32
    %mul3A_31 = arith.muli %arg1, %mul3A_30 : i32
    %add3A_32 = arith.constant 480 : i32
    %add3A_33 = arith.addi %mul3A_31, %add3A_32 : i32
    "tpu.region"() ({
      %run_scoped3A_132 = tpu.sem_alloc : memref<!tpu.dma_semaphore, #tpu.memory_space<semaphore_mem>>
      %dma_start3A_133 = arith.constant 0 : i32
      %dma_start3A_134 = arith.constant 0 : i32
      %dma_start3A_135 = tpu.memref_slice %arg7[%dma_start3A_133, %dma_start3A_134] : memref<80x16xf32, #tpu.memory_space<vmem>> -> memref<80x16xf32, #tpu.memory_space<vmem>>
      %dma_start3A_136 = arith.constant 0 : i32
      %dma_start3A_137 = tpu.memref_slice %arg4[%add3A_33, %dma_start3A_136] : memref<10000x16xf32, #tpu.memory_space<vmem_shared>> -> memref<80x16xf32, #tpu.memory_space<vmem_shared>>
      %dma_start3A_138 = arith.constant 0 : i32
      %dma_start3A_139 = tpu.memref_slice %arg4[%add3A_33, %dma_start3A_138] : memref<10000x16xf32, #tpu.memory_space<vmem_shared>> -> memref<80x16xf32, #tpu.memory_space<vmem_shared>>
      %dma_start3A_140 = arith.constant 0 : i32
      %dma_start3A_141 = arith.constant 0 : i32
      %dma_start3A_142 = tpu.memref_slice %arg7[%dma_start3A_140, %dma_start3A_141] : memref<80x16xf32, #tpu.memory_space<vmem>> -> memref<80x16xf32, #tpu.memory_space<vmem>>
      tpu.enqueue_dma source(%dma_start3A_142 : memref<80x16xf32, #tpu.memory_space<vmem>>) target(%dma_start3A_139 : memref<80x16xf32, #tpu.memory_space<vmem_shared>>) target_semaphore(%run_scoped3A_132 : memref<!tpu.dma_semaphore, #tpu.memory_space<semaphore_mem>>)
      %dma_wait3A_143 = arith.constant 0 : i32
      %dma_wait3A_144 = arith.constant 0 : i32
      %dma_wait3A_145 = tpu.memref_slice %arg7[%dma_wait3A_143, %dma_wait3A_144] : memref<80x16xf32, #tpu.memory_space<vmem>> -> memref<80x16xf32, #tpu.memory_space<vmem>>
      %dma_wait3A_146 = arith.constant 0 : i32
      %dma_wait3A_147 = tpu.memref_slice %arg4[%add3A_33, %dma_wait3A_146] : memref<10000x16xf32, #tpu.memory_space<vmem_shared>> -> memref<80x16xf32, #tpu.memory_space<vmem_shared>>
      %dma_wait3A_148 = arith.constant 0 : i32
      %dma_wait3A_149 = tpu.memref_slice %arg4[%add3A_33, %dma_wait3A_148] : memref<10000x16xf32, #tpu.memory_space<vmem_shared>> -> memref<80x16xf32, #tpu.memory_space<vmem_shared>>
      %dma_wait3A_150 = arith.constant 0 : i32
      %dma_wait3A_151 = arith.constant 0 : i32
      %dma_wait3A_152 = tpu.memref_slice %arg7[%dma_wait3A_150, %dma_wait3A_151] : memref<80x16xf32, #tpu.memory_space<vmem>> -> memref<80x16xf32, #tpu.memory_space<vmem>>
      tpu.wait_dma2 semaphore(%run_scoped3A_132 : memref<!tpu.dma_semaphore, #tpu.memory_space<semaphore_mem>>) src(%dma_wait3A_152 : memref<80x16xf32, #tpu.memory_space<vmem>>) dst(%dma_wait3A_149 : memref<80x16xf32, #tpu.memory_space<vmem_shared>>)
      tpu.yield
    }) : () -> ()
    %mul3A_34 = arith.constant 625 : i32
    %mul3A_35 = arith.muli %arg1, %mul3A_34 : i32
    %add3A_36 = arith.constant 560 : i32
    %add3A_37 = arith.addi %mul3A_35, %add3A_36 : i32
    "tpu.region"() ({
      %run_scoped3A_132 = tpu.sem_alloc : memref<!tpu.dma_semaphore, #tpu.memory_space<semaphore_mem>>
      %dma_start3A_133 = arith.constant 0 : i32
      %dma_start3A_134 = arith.constant 0 : i32
      %dma_start3A_135 = tpu.memref_slice %arg7[%dma_start3A_133, %dma_start3A_134] : memref<80x16xf32, #tpu.memory_space<vmem>> -> memref<65x16xf32, #tpu.memory_space<vmem>>
      %dma_start3A_136 = arith.constant 0 : i32
      %dma_start3A_137 = tpu.memref_slice %arg4[%add3A_37, %dma_start3A_136] : memref<10000x16xf32, #tpu.memory_space<vmem_shared>> -> memref<65x16xf32, #tpu.memory_space<vmem_shared>>
      %dma_start3A_138 = arith.constant 0 : i32
      %dma_start3A_139 = tpu.memref_slice %arg4[%add3A_37, %dma_start3A_138] : memref<10000x16xf32, #tpu.memory_space<vmem_shared>> -> memref<65x16xf32, #tpu.memory_space<vmem_shared>>
      %dma_start3A_140 = arith.constant 0 : i32
      %dma_start3A_141 = arith.constant 0 : i32
      %dma_start3A_142 = tpu.memref_slice %arg7[%dma_start3A_140, %dma_start3A_141] : memref<80x16xf32, #tpu.memory_space<vmem>> -> memref<65x16xf32, #tpu.memory_space<vmem>>
      tpu.enqueue_dma source(%dma_start3A_142 : memref<65x16xf32, #tpu.memory_space<vmem>>) target(%dma_start3A_139 : memref<65x16xf32, #tpu.memory_space<vmem_shared>>) target_semaphore(%run_scoped3A_132 : memref<!tpu.dma_semaphore, #tpu.memory_space<semaphore_mem>>)
      %dma_wait3A_143 = arith.constant 0 : i32
      %dma_wait3A_144 = arith.constant 0 : i32
      %dma_wait3A_145 = tpu.memref_slice %arg7[%dma_wait3A_143, %dma_wait3A_144] : memref<80x16xf32, #tpu.memory_space<vmem>> -> memref<65x16xf32, #tpu.memory_space<vmem>>
      %dma_wait3A_146 = arith.constant 0 : i32
      %dma_wait3A_147 = tpu.memref_slice %arg4[%add3A_37, %dma_wait3A_146] : memref<10000x16xf32, #tpu.memory_space<vmem_shared>> -> memref<65x16xf32, #tpu.memory_space<vmem_shared>>
      %dma_wait3A_148 = arith.constant 0 : i32
      %dma_wait3A_149 = tpu.memref_slice %arg4[%add3A_37, %dma_wait3A_148] : memref<10000x16xf32, #tpu.memory_space<vmem_shared>> -> memref<65x16xf32, #tpu.memory_space<vmem_shared>>
      %dma_wait3A_150 = arith.constant 0 : i32
      %dma_wait3A_151 = arith.constant 0 : i32
      %dma_wait3A_152 = tpu.memref_slice %arg7[%dma_wait3A_150, %dma_wait3A_151] : memref<80x16xf32, #tpu.memory_space<vmem>> -> memref<65x16xf32, #tpu.memory_space<vmem>>
      tpu.wait_dma2 semaphore(%run_scoped3A_132 : memref<!tpu.dma_semaphore, #tpu.memory_space<semaphore_mem>>) src(%dma_wait3A_152 : memref<65x16xf32, #tpu.memory_space<vmem>>) dst(%dma_wait3A_149 : memref<65x16xf32, #tpu.memory_space<vmem_shared>>)
      tpu.yield
    }) : () -> ()
    %sub3A = arith.constant 1 : i32
    %sub3A_38 = arith.subi %sub3A, %arg0 : i32
    %run_scoped3A = arith.constant 0 : i32
    "tpu.region"() ({
      %run_scoped3A_132 = tpu.sem_alloc : memref<!tpu.dma_semaphore, #tpu.memory_space<semaphore_mem>>
      %dma_start3A_133 = arith.constant 0 : i32
      %dma_start3A_134 = arith.constant 0 : i32
      %dma_start3A_135 = tpu.memref_slice %arg5[%run_scoped3A, %dma_start3A_133, %dma_start3A_134] : memref<3x25x80xi32, #tpu.memory_space<vmem>> -> memref<1x25x80xi32, #tpu.memory_space<vmem>>
      %dma_start3A_136 = tpu.memref_squeeze %dma_start3A_135 : memref<1x25x80xi32, #tpu.memory_space<vmem>> -> memref<25x80xi32, #tpu.memory_space<vmem>>
      %dma_start3A_137 = arith.constant 0 : i32
      %dma_start3A_138 = tpu.memref_slice %arg2[%sub3A_38, %mul3A_0, %dma_start3A_137] : memref<2x4000x80xi32, #tpu.memory_space<hbm>> -> memref<1x25x80xi32, #tpu.memory_space<hbm>>
      %dma_start3A_139 = tpu.memref_squeeze %dma_start3A_138 : memref<1x25x80xi32, #tpu.memory_space<hbm>> -> memref<25x80xi32, #tpu.memory_space<hbm>>
      %dma_start3A_140 = arith.constant 0 : i32
      %dma_start3A_141 = arith.constant 0 : i32
      %dma_start3A_142 = tpu.memref_slice %arg5[%run_scoped3A, %dma_start3A_140, %dma_start3A_141] : memref<3x25x80xi32, #tpu.memory_space<vmem>> -> memref<1x25x80xi32, #tpu.memory_space<vmem>>
      %dma_start3A_143 = tpu.memref_squeeze %dma_start3A_142 : memref<1x25x80xi32, #tpu.memory_space<vmem>> -> memref<25x80xi32, #tpu.memory_space<vmem>>
      %dma_start3A_144 = arith.constant 0 : i32
      %dma_start3A_145 = tpu.memref_slice %arg2[%sub3A_38, %mul3A_0, %dma_start3A_144] : memref<2x4000x80xi32, #tpu.memory_space<hbm>> -> memref<1x25x80xi32, #tpu.memory_space<hbm>>
      %dma_start3A_146 = tpu.memref_squeeze %dma_start3A_145 : memref<1x25x80xi32, #tpu.memory_space<hbm>> -> memref<25x80xi32, #tpu.memory_space<hbm>>
      tpu.enqueue_dma source(%dma_start3A_146 : memref<25x80xi32, #tpu.memory_space<hbm>>) target(%dma_start3A_143 : memref<25x80xi32, #tpu.memory_space<vmem>>) target_semaphore(%run_scoped3A_132 : memref<!tpu.dma_semaphore, #tpu.memory_space<semaphore_mem>>)
      %dma_wait3A_147 = arith.constant 0 : i32
      %dma_wait3A_148 = arith.constant 0 : i32
      %dma_wait3A_149 = tpu.memref_slice %arg5[%run_scoped3A, %dma_wait3A_147, %dma_wait3A_148] : memref<3x25x80xi32, #tpu.memory_space<vmem>> -> memref<1x25x80xi32, #tpu.memory_space<vmem>>
      %dma_wait3A_150 = tpu.memref_squeeze %dma_wait3A_149 : memref<1x25x80xi32, #tpu.memory_space<vmem>> -> memref<25x80xi32, #tpu.memory_space<vmem>>
      %dma_wait3A_151 = arith.constant 0 : i32
      %dma_wait3A_152 = tpu.memref_slice %arg2[%sub3A_38, %mul3A_0, %dma_wait3A_151] : memref<2x4000x80xi32, #tpu.memory_space<hbm>> -> memref<1x25x80xi32, #tpu.memory_space<hbm>>
      %dma_wait3A_153 = tpu.memref_squeeze %dma_wait3A_152 : memref<1x25x80xi32, #tpu.memory_space<hbm>> -> memref<25x80xi32, #tpu.memory_space<hbm>>
      %dma_wait3A_154 = arith.constant 0 : i32
      %dma_wait3A_155 = arith.constant 0 : i32
      %dma_wait3A_156 = tpu.memref_slice %arg5[%run_scoped3A, %dma_wait3A_154, %dma_wait3A_155] : memref<3x25x80xi32, #tpu.memory_space<vmem>> -> memref<1x25x80xi32, #tpu.memory_space<vmem>>
      %dma_wait3A_157 = tpu.memref_squeeze %dma_wait3A_156 : memref<1x25x80xi32, #tpu.memory_space<vmem>> -> memref<25x80xi32, #tpu.memory_space<vmem>>
      %dma_wait3A_158 = arith.constant 0 : i32
      %dma_wait3A_159 = tpu.memref_slice %arg2[%sub3A_38, %mul3A_0, %dma_wait3A_158] : memref<2x4000x80xi32, #tpu.memory_space<hbm>> -> memref<1x25x80xi32, #tpu.memory_space<hbm>>
      %dma_wait3A_160 = tpu.memref_squeeze %dma_wait3A_159 : memref<1x25x80xi32, #tpu.memory_space<hbm>> -> memref<25x80xi32, #tpu.memory_space<hbm>>
      tpu.wait_dma2 semaphore(%run_scoped3A_132 : memref<!tpu.dma_semaphore, #tpu.memory_space<semaphore_mem>>) src(%dma_wait3A_160 : memref<25x80xi32, #tpu.memory_space<hbm>>) dst(%dma_wait3A_157 : memref<25x80xi32, #tpu.memory_space<vmem>>)
      tpu.yield
    }) : () -> ()
    %sub3A_39 = arith.constant 1 : i32
    %sub3A_40 = arith.subi %sub3A_39, %arg0 : i32
    %add3A_41 = arith.constant 25 : i32
    %add3A_42 = arith.addi %mul3A_0, %add3A_41 : i32
    %dma_start3A = arith.constant 1 : i32
    %dma_start3A_43 = arith.constant 0 : i32
    %dma_start3A_44 = arith.constant 0 : i32
    %dma_start3A_45 = tpu.memref_slice %arg5[%dma_start3A, %dma_start3A_43, %dma_start3A_44] : memref<3x25x80xi32, #tpu.memory_space<vmem>> -> memref<1x25x80xi32, #tpu.memory_space<vmem>>
    %dma_start3A_46 = tpu.memref_squeeze %dma_start3A_45 : memref<1x25x80xi32, #tpu.memory_space<vmem>> -> memref<25x80xi32, #tpu.memory_space<vmem>>
    %dma_start3A_47 = arith.constant 0 : i32
    %dma_start3A_48 = tpu.memref_slice %arg2[%sub3A_40, %add3A_42, %dma_start3A_47] : memref<2x4000x80xi32, #tpu.memory_space<hbm>> -> memref<1x25x80xi32, #tpu.memory_space<hbm>>
    %dma_start3A_49 = tpu.memref_squeeze %dma_start3A_48 : memref<1x25x80xi32, #tpu.memory_space<hbm>> -> memref<25x80xi32, #tpu.memory_space<hbm>>
    %dma_start3A_50 = arith.constant 0 : i32
    %dma_start3A_51 = arith.constant 0 : i32
    %dma_start3A_52 = tpu.memref_slice %arg5[%dma_start3A, %dma_start3A_50, %dma_start3A_51] : memref<3x25x80xi32, #tpu.memory_space<vmem>> -> memref<1x25x80xi32, #tpu.memory_space<vmem>>
    %dma_start3A_53 = tpu.memref_squeeze %dma_start3A_52 : memref<1x25x80xi32, #tpu.memory_space<vmem>> -> memref<25x80xi32, #tpu.memory_space<vmem>>
    %dma_start3A_54 = arith.constant 0 : i32
    %dma_start3A_55 = tpu.memref_slice %arg2[%sub3A_40, %add3A_42, %dma_start3A_54] : memref<2x4000x80xi32, #tpu.memory_space<hbm>> -> memref<1x25x80xi32, #tpu.memory_space<hbm>>
    %dma_start3A_56 = tpu.memref_squeeze %dma_start3A_55 : memref<1x25x80xi32, #tpu.memory_space<hbm>> -> memref<25x80xi32, #tpu.memory_space<hbm>>
    tpu.enqueue_dma source(%dma_start3A_56 : memref<25x80xi32, #tpu.memory_space<hbm>>) target(%dma_start3A_53 : memref<25x80xi32, #tpu.memory_space<vmem>>) target_semaphore(%arg9 : memref<!tpu.dma_semaphore, #tpu.memory_space<semaphore_mem>>)
    %barrier3A = arith.constant 0 : index
    tpu.barrier barrier_id(%barrier3A)
    %scan3A_57 = arith.constant 0 : i32
    %scan3A_58 = arith.constant 0 : i32
    %scan3A_59 = arith.constant 250 : i32
    %scan3A_60 = arith.addi %scan3A_58, %scan3A_59 : i32
    %scan3A_61 = arith.constant 1 : i32
    %scan3A_62 = scf.for %scan3A_132 = %scan3A_58 to %scan3A_60 step %scan3A_61 iter_args(%scan3A_133 = %scan3A_57) -> (i32)  : i32 {
      %jit3A = arith.constant 25 : i32
      %div3A = arith.divsi %scan3A_132, %jit3A : i32
      %sign3A = arith.constant 0 : i32
      %sign3A_134 = arith.cmpi sgt, %scan3A_132, %sign3A : i32
      %sign3A_135 = arith.extui %sign3A_134 : i1 to i32
      %sign3A_136 = arith.constant 0 : i32
      %sign3A_137 = arith.cmpi slt, %scan3A_132, %sign3A_136 : i32
      %sign3A_138 = arith.extui %sign3A_137 : i1 to i32
      %sign3A_139 = arith.subi %sign3A_135, %sign3A_138 : i32
      %sign3A_140 = arith.constant 0 : i32
      %sign3A_141 = arith.cmpi sgt, %jit3A, %sign3A_140 : i32
      %sign3A_142 = arith.extui %sign3A_141 : i1 to i32
      %sign3A_143 = arith.constant 0 : i32
      %sign3A_144 = arith.cmpi slt, %jit3A, %sign3A_143 : i32
      %sign3A_145 = arith.extui %sign3A_144 : i1 to i32
      %sign3A_146 = arith.subi %sign3A_142, %sign3A_145 : i32
      %ne3A = arith.cmpi ne, %sign3A_139, %sign3A_146 : i32
      %rem3A = arith.remsi %scan3A_132, %jit3A : i32
      %ne3A_147 = arith.constant 0 : i32
      %ne3A_148 = arith.cmpi ne, %rem3A, %ne3A_147 : i32
      %and3A = arith.andi %ne3A, %ne3A_148 : i1
      %sub3A_149 = arith.constant 1 : i32
      %sub3A_150 = arith.subi %div3A, %sub3A_149 : i32
      %select_n3A = arith.select %and3A, %sub3A_150, %div3A : i32
      %jit3A_151 = arith.constant 25 : i32
      %eq3A = arith.constant 0 : i32
      %eq3A_152 = arith.cmpi eq, %jit3A_151, %eq3A : i32
      %jit3A_153 = arith.constant 1 : i32
      %select_n3A_154 = arith.select %eq3A_152, %jit3A_153, %jit3A_151 : i32
      %rem3A_155 = arith.remsi %scan3A_132, %select_n3A_154 : i32
      %ne3A_156 = arith.constant 0 : i32
      %ne3A_157 = arith.cmpi ne, %rem3A_155, %ne3A_156 : i32
      %lt3A = arith.constant 0 : i32
      %lt3A_158 = arith.cmpi slt, %rem3A_155, %lt3A : i32
      %lt3A_159 = arith.constant 0 : i32
      %lt3A_160 = arith.cmpi slt, %select_n3A_154, %lt3A_159 : i32
      %ne3A_161 = arith.xori %lt3A_158, %lt3A_160 : i1
      %and3A_162 = arith.andi %ne3A_161, %ne3A_157 : i1
      %add3A_163 = arith.addi %rem3A_155, %select_n3A_154 : i32
      %select_n3A_164 = arith.select %and3A_162, %add3A_163, %rem3A_155 : i32
      %jit3A_165 = arith.constant 3 : i32
      %eq3A_166 = arith.constant 0 : i32
      %eq3A_167 = arith.cmpi eq, %jit3A_165, %eq3A_166 : i32
      %jit3A_168 = arith.constant 1 : i32
      %select_n3A_169 = arith.select %eq3A_167, %jit3A_168, %jit3A_165 : i32
      %rem3A_170 = arith.remsi %select_n3A, %select_n3A_169 : i32
      %ne3A_171 = arith.constant 0 : i32
      %ne3A_172 = arith.cmpi ne, %rem3A_170, %ne3A_171 : i32
      %lt3A_173 = arith.constant 0 : i32
      %lt3A_174 = arith.cmpi slt, %rem3A_170, %lt3A_173 : i32
      %lt3A_175 = arith.constant 0 : i32
      %lt3A_176 = arith.cmpi slt, %select_n3A_169, %lt3A_175 : i32
      %ne3A_177 = arith.xori %lt3A_174, %lt3A_176 : i1
      %and3A_178 = arith.andi %ne3A_177, %ne3A_172 : i1
      %add3A_179 = arith.addi %rem3A_170, %select_n3A_169 : i32
      %select_n3A_180 = arith.select %and3A_178, %add3A_179, %rem3A_170 : i32
      %eq3A_181 = arith.constant 24 : i32
      %eq3A_182 = arith.cmpi eq, %select_n3A_164, %eq3A_181 : i32
      %add3A_183 = arith.constant 1 : i32
      %add3A_184 = arith.addi %select_n3A, %add3A_183 : i32
      %lt3A_185 = arith.constant 10 : i32
      %lt3A_186 = arith.cmpi slt, %add3A_184, %lt3A_185 : i32
      %and3A_187 = arith.andi %eq3A_182, %lt3A_186 : i1
      %convert_element_type3A = arith.extui %and3A_187 : i1 to i32
      %cond3A = arith.constant 0 : i32
      %cond3A_188 = arith.cmpi ne, %convert_element_type3A, %cond3A : i32
      scf.if %cond3A_188 {
        %sub3A_212 = arith.constant 1 : i32
        %sub3A_213 = arith.subi %sub3A_212, %arg0 : i32
        %add3A_214 = arith.constant 1 : i32
        %add3A_215 = arith.addi %select_n3A, %add3A_214 : i32
        %jit3A_216 = arith.constant 3 : i32
        %eq3A_217 = arith.constant 0 : i32
        %eq3A_218 = arith.cmpi eq, %jit3A_216, %eq3A_217 : i32
        %jit3A_219 = arith.constant 1 : i32
        %select_n3A_220 = arith.select %eq3A_218, %jit3A_219, %jit3A_216 : i32
        %rem3A_221 = arith.remsi %add3A_215, %select_n3A_220 : i32
        %ne3A_222 = arith.constant 0 : i32
        %ne3A_223 = arith.cmpi ne, %rem3A_221, %ne3A_222 : i32
        %lt3A_224 = arith.constant 0 : i32
        %lt3A_225 = arith.cmpi slt, %rem3A_221, %lt3A_224 : i32
        %lt3A_226 = arith.constant 0 : i32
        %lt3A_227 = arith.cmpi slt, %select_n3A_220, %lt3A_226 : i32
        %ne3A_228 = arith.xori %lt3A_225, %lt3A_227 : i1
        %and3A_229 = arith.andi %ne3A_228, %ne3A_223 : i1
        %add3A_230 = arith.addi %rem3A_221, %select_n3A_220 : i32
        %select_n3A_231 = arith.select %and3A_229, %add3A_230, %rem3A_221 : i32
        %dma_wait3A_232 = arith.constant 0 : i32
        %dma_wait3A_233 = arith.constant 0 : i32
        %dma_wait3A_234 = tpu.memref_slice %arg5[%select_n3A_231, %dma_wait3A_232, %dma_wait3A_233] : memref<3x25x80xi32, #tpu.memory_space<vmem>> -> memref<1x25x80xi32, #tpu.memory_space<vmem>>
        %dma_wait3A_235 = tpu.memref_squeeze %dma_wait3A_234 : memref<1x25x80xi32, #tpu.memory_space<vmem>> -> memref<25x80xi32, #tpu.memory_space<vmem>>
        %dma_wait3A_236 = arith.constant 0 : i32
        %dma_wait3A_237 = tpu.memref_slice %arg2[%sub3A_213, %mul3A_0, %dma_wait3A_236] : memref<2x4000x80xi32, #tpu.memory_space<hbm>> -> memref<1x25x80xi32, #tpu.memory_space<hbm>>
        %dma_wait3A_238 = tpu.memref_squeeze %dma_wait3A_237 : memref<1x25x80xi32, #tpu.memory_space<hbm>> -> memref<25x80xi32, #tpu.memory_space<hbm>>
        %dma_wait3A_239 = arith.constant 0 : i32
        %dma_wait3A_240 = arith.constant 0 : i32
        %dma_wait3A_241 = tpu.memref_slice %arg5[%select_n3A_231, %dma_wait3A_239, %dma_wait3A_240] : memref<3x25x80xi32, #tpu.memory_space<vmem>> -> memref<1x25x80xi32, #tpu.memory_space<vmem>>
        %dma_wait3A_242 = tpu.memref_squeeze %dma_wait3A_241 : memref<1x25x80xi32, #tpu.memory_space<vmem>> -> memref<25x80xi32, #tpu.memory_space<vmem>>
        %dma_wait3A_243 = arith.constant 0 : i32
        %dma_wait3A_244 = tpu.memref_slice %arg2[%sub3A_213, %mul3A_0, %dma_wait3A_243] : memref<2x4000x80xi32, #tpu.memory_space<hbm>> -> memref<1x25x80xi32, #tpu.memory_space<hbm>>
        %dma_wait3A_245 = tpu.memref_squeeze %dma_wait3A_244 : memref<1x25x80xi32, #tpu.memory_space<hbm>> -> memref<25x80xi32, #tpu.memory_space<hbm>>
        tpu.wait_dma2 semaphore(%arg9 : memref<!tpu.dma_semaphore, #tpu.memory_space<semaphore_mem>>) src(%dma_wait3A_245 : memref<25x80xi32, #tpu.memory_space<hbm>>) dst(%dma_wait3A_242 : memref<25x80xi32, #tpu.memory_space<vmem>>)
      } else {
      }
      %dma_start3A_189 = arith.constant 0 : i32
      %dma_start3A_190 = tpu.memref_slice %arg5[%select_n3A_180, %select_n3A_164, %dma_start3A_189] : memref<3x25x80xi32, #tpu.memory_space<vmem>> -> memref<1x1x80xi32, #tpu.memory_space<vmem>>
      %dma_start3A_191 = tpu.memref_squeeze %dma_start3A_190 : memref<1x1x80xi32, #tpu.memory_space<vmem>> -> memref<80xi32, #tpu.memory_space<vmem>>
      %dma_start3A_192 = arith.constant 0 : i32
      %dma_start3A_193 = arith.constant 0 : i32
      %dma_start3A_194 = tpu.memref_slice %arg4[%dma_start3A_192, %dma_start3A_193] : memref<10000x16xf32, #tpu.memory_space<vmem_shared>> -> memref<10000x16xf32, #tpu.memory_space<vmem_shared>>
      tpu.enqueue_indirect_dma source(%arg6 : memref<80x16xf32, #tpu.memory_space<vmem>>) target(%dma_start3A_194 : memref<10000x16xf32, #tpu.memory_space<vmem_shared>>) offsets(%dma_start3A_191 : memref<80xi32, #tpu.memory_space<vmem>>) semaphore(%arg8 : memref<!tpu.dma_semaphore, #tpu.memory_space<semaphore_mem>>) {add = true}
      %ge3A = arith.constant 8 : i32
      %ge3A_195 = arith.cmpi sge, %scan3A_132, %ge3A : i32
      %convert_element_type3A_196 = arith.extui %ge3A_195 : i1 to i32
      %cond3A_197 = arith.constant 0 : i32
      %cond3A_198 = arith.cmpi ne, %convert_element_type3A_196, %cond3A_197 : i32
      scf.if %cond3A_198 {
        %dma_wait3A_212 = arith.constant 0 : i32
        %dma_wait3A_213 = tpu.memref_slice %arg5[%select_n3A_180, %select_n3A_164, %dma_wait3A_212] : memref<3x25x80xi32, #tpu.memory_space<vmem>> -> memref<1x1x80xi32, #tpu.memory_space<vmem>>
        %dma_wait3A_214 = tpu.memref_squeeze %dma_wait3A_213 : memref<1x1x80xi32, #tpu.memory_space<vmem>> -> memref<80xi32, #tpu.memory_space<vmem>>
        %dma_wait3A_215 = arith.constant 0 : i32
        %dma_wait3A_216 = arith.constant 0 : i32
        %dma_wait3A_217 = tpu.memref_slice %arg4[%dma_wait3A_215, %dma_wait3A_216] : memref<10000x16xf32, #tpu.memory_space<vmem_shared>> -> memref<10000x16xf32, #tpu.memory_space<vmem_shared>>
        tpu.wait_indirect_dma semaphore(%arg8 : memref<!tpu.dma_semaphore, #tpu.memory_space<semaphore_mem>>) src(%arg6 : memref<80x16xf32, #tpu.memory_space<vmem>>) dst(%dma_wait3A_217 : memref<10000x16xf32, #tpu.memory_space<vmem_shared>>)
      } else {
      }
      %eq3A_199 = arith.constant 0 : i32
      %eq3A_200 = arith.cmpi eq, %select_n3A_164, %eq3A_199 : i32
      %gt3A = arith.constant 0 : i32
      %gt3A_201 = arith.cmpi sgt, %select_n3A, %gt3A : i32
      %add3A_202 = arith.constant 1 : i32
      %add3A_203 = arith.addi %select_n3A, %add3A_202 : i32
      %lt3A_204 = arith.constant 10 : i32
      %lt3A_205 = arith.cmpi slt, %add3A_203, %lt3A_204 : i32
      %and3A_206 = arith.andi %gt3A_201, %lt3A_205 : i1
      %and3A_207 = arith.andi %eq3A_200, %and3A_206 : i1
      %convert_element_type3A_208 = arith.extui %and3A_207 : i1 to i32
      %cond3A_209 = arith.constant 0 : i32
      %cond3A_210 = arith.cmpi ne, %convert_element_type3A_208, %cond3A_209 : i32
      scf.if %cond3A_210 {
        %add3A_212 = arith.constant 1 : i32
        %add3A_213 = arith.addi %select_n3A, %add3A_212 : i32
        %mul3A_214 = arith.constant 25 : i32
        %mul3A_215 = arith.muli %add3A_213, %mul3A_214 : i32
        %add3A_216 = arith.addi %mul3A_0, %mul3A_215 : i32
        %sub3A_217 = arith.constant 1 : i32
        %sub3A_218 = arith.subi %sub3A_217, %arg0 : i32
        %add3A_219 = arith.constant 1 : i32
        %add3A_220 = arith.addi %select_n3A, %add3A_219 : i32
        %jit3A_221 = arith.constant 3 : i32
        %eq3A_222 = arith.constant 0 : i32
        %eq3A_223 = arith.cmpi eq, %jit3A_221, %eq3A_222 : i32
        %jit3A_224 = arith.constant 1 : i32
        %select_n3A_225 = arith.select %eq3A_223, %jit3A_224, %jit3A_221 : i32
        %rem3A_226 = arith.remsi %add3A_220, %select_n3A_225 : i32
        %ne3A_227 = arith.constant 0 : i32
        %ne3A_228 = arith.cmpi ne, %rem3A_226, %ne3A_227 : i32
        %lt3A_229 = arith.constant 0 : i32
        %lt3A_230 = arith.cmpi slt, %rem3A_226, %lt3A_229 : i32
        %lt3A_231 = arith.constant 0 : i32
        %lt3A_232 = arith.cmpi slt, %select_n3A_225, %lt3A_231 : i32
        %ne3A_233 = arith.xori %lt3A_230, %lt3A_232 : i1
        %and3A_234 = arith.andi %ne3A_233, %ne3A_228 : i1
        %add3A_235 = arith.addi %rem3A_226, %select_n3A_225 : i32
        %select_n3A_236 = arith.select %and3A_234, %add3A_235, %rem3A_226 : i32
        %dma_start3A_237 = arith.constant 0 : i32
        %dma_start3A_238 = arith.constant 0 : i32
        %dma_start3A_239 = tpu.memref_slice %arg5[%select_n3A_236, %dma_start3A_237, %dma_start3A_238] : memref<3x25x80xi32, #tpu.memory_space<vmem>> -> memref<1x25x80xi32, #tpu.memory_space<vmem>>
        %dma_start3A_240 = tpu.memref_squeeze %dma_start3A_239 : memref<1x25x80xi32, #tpu.memory_space<vmem>> -> memref<25x80xi32, #tpu.memory_space<vmem>>
        %dma_start3A_241 = arith.constant 0 : i32
        %dma_start3A_242 = tpu.memref_slice %arg2[%sub3A_218, %add3A_216, %dma_start3A_241] : memref<2x4000x80xi32, #tpu.memory_space<hbm>> -> memref<1x25x80xi32, #tpu.memory_space<hbm>>
        %dma_start3A_243 = tpu.memref_squeeze %dma_start3A_242 : memref<1x25x80xi32, #tpu.memory_space<hbm>> -> memref<25x80xi32, #tpu.memory_space<hbm>>
        %dma_start3A_244 = arith.constant 0 : i32
        %dma_start3A_245 = arith.constant 0 : i32
        %dma_start3A_246 = tpu.memref_slice %arg5[%select_n3A_236, %dma_start3A_244, %dma_start3A_245] : memref<3x25x80xi32, #tpu.memory_space<vmem>> -> memref<1x25x80xi32, #tpu.memory_space<vmem>>
        %dma_start3A_247 = tpu.memref_squeeze %dma_start3A_246 : memref<1x25x80xi32, #tpu.memory_space<vmem>> -> memref<25x80xi32, #tpu.memory_space<vmem>>
        %dma_start3A_248 = arith.constant 0 : i32
        %dma_start3A_249 = tpu.memref_slice %arg2[%sub3A_218, %add3A_216, %dma_start3A_248] : memref<2x4000x80xi32, #tpu.memory_space<hbm>> -> memref<1x25x80xi32, #tpu.memory_space<hbm>>
        %dma_start3A_250 = tpu.memref_squeeze %dma_start3A_249 : memref<1x25x80xi32, #tpu.memory_space<hbm>> -> memref<25x80xi32, #tpu.memory_space<hbm>>
        tpu.enqueue_dma source(%dma_start3A_250 : memref<25x80xi32, #tpu.memory_space<hbm>>) target(%dma_start3A_247 : memref<25x80xi32, #tpu.memory_space<vmem>>) target_semaphore(%arg9 : memref<!tpu.dma_semaphore, #tpu.memory_space<semaphore_mem>>)
      } else {
      }
      %scan3A_211 = arith.constant 0 : i32
      scf.yield %scan3A_211 : i32
    }
    %scan3A_63 = arith.constant 250 : i32
    %dma_wait3A = arith.constant 0 : i32
    %dma_wait3A_64 = arith.constant 0 : i32
    %dma_wait3A_65 = arith.constant 0 : i32
    %dma_wait3A_66 = tpu.memref_slice %arg5[%dma_wait3A, %dma_wait3A_64, %dma_wait3A_65] : memref<3x25x80xi32, #tpu.memory_space<vmem>> -> memref<1x1x80xi32, #tpu.memory_space<vmem>>
    %dma_wait3A_67 = tpu.memref_squeeze %dma_wait3A_66 : memref<1x1x80xi32, #tpu.memory_space<vmem>> -> memref<80xi32, #tpu.memory_space<vmem>>
    %dma_wait3A_68 = arith.constant 0 : i32
    %dma_wait3A_69 = arith.constant 0 : i32
    %dma_wait3A_70 = tpu.memref_slice %arg4[%dma_wait3A_68, %dma_wait3A_69] : memref<10000x16xf32, #tpu.memory_space<vmem_shared>> -> memref<10000x16xf32, #tpu.memory_space<vmem_shared>>
    tpu.wait_indirect_dma semaphore(%arg8 : memref<!tpu.dma_semaphore, #tpu.memory_space<semaphore_mem>>) src(%arg6 : memref<80x16xf32, #tpu.memory_space<vmem>>) dst(%dma_wait3A_70 : memref<10000x16xf32, #tpu.memory_space<vmem_shared>>)
    %dma_wait3A_71 = arith.constant 0 : i32
    %dma_wait3A_72 = arith.constant 0 : i32
    %dma_wait3A_73 = arith.constant 0 : i32
    %dma_wait3A_74 = tpu.memref_slice %arg5[%dma_wait3A_71, %dma_wait3A_72, %dma_wait3A_73] : memref<3x25x80xi32, #tpu.memory_space<vmem>> -> memref<1x1x80xi32, #tpu.memory_space<vmem>>
    %dma_wait3A_75 = tpu.memref_squeeze %dma_wait3A_74 : memref<1x1x80xi32, #tpu.memory_space<vmem>> -> memref<80xi32, #tpu.memory_space<vmem>>
    %dma_wait3A_76 = arith.constant 0 : i32
    %dma_wait3A_77 = arith.constant 0 : i32
    %dma_wait3A_78 = tpu.memref_slice %arg4[%dma_wait3A_76, %dma_wait3A_77] : memref<10000x16xf32, #tpu.memory_space<vmem_shared>> -> memref<10000x16xf32, #tpu.memory_space<vmem_shared>>
    tpu.wait_indirect_dma semaphore(%arg8 : memref<!tpu.dma_semaphore, #tpu.memory_space<semaphore_mem>>) src(%arg6 : memref<80x16xf32, #tpu.memory_space<vmem>>) dst(%dma_wait3A_78 : memref<10000x16xf32, #tpu.memory_space<vmem_shared>>)
    %dma_wait3A_79 = arith.constant 0 : i32
    %dma_wait3A_80 = arith.constant 0 : i32
    %dma_wait3A_81 = arith.constant 0 : i32
    %dma_wait3A_82 = tpu.memref_slice %arg5[%dma_wait3A_79, %dma_wait3A_80, %dma_wait3A_81] : memref<3x25x80xi32, #tpu.memory_space<vmem>> -> memref<1x1x80xi32, #tpu.memory_space<vmem>>
    %dma_wait3A_83 = tpu.memref_squeeze %dma_wait3A_82 : memref<1x1x80xi32, #tpu.memory_space<vmem>> -> memref<80xi32, #tpu.memory_space<vmem>>
    %dma_wait3A_84 = arith.constant 0 : i32
    %dma_wait3A_85 = arith.constant 0 : i32
    %dma_wait3A_86 = tpu.memref_slice %arg4[%dma_wait3A_84, %dma_wait3A_85] : memref<10000x16xf32, #tpu.memory_space<vmem_shared>> -> memref<10000x16xf32, #tpu.memory_space<vmem_shared>>
    tpu.wait_indirect_dma semaphore(%arg8 : memref<!tpu.dma_semaphore, #tpu.memory_space<semaphore_mem>>) src(%arg6 : memref<80x16xf32, #tpu.memory_space<vmem>>) dst(%dma_wait3A_86 : memref<10000x16xf32, #tpu.memory_space<vmem_shared>>)
    %dma_wait3A_87 = arith.constant 0 : i32
    %dma_wait3A_88 = arith.constant 0 : i32
    %dma_wait3A_89 = arith.constant 0 : i32
    %dma_wait3A_90 = tpu.memref_slice %arg5[%dma_wait3A_87, %dma_wait3A_88, %dma_wait3A_89] : memref<3x25x80xi32, #tpu.memory_space<vmem>> -> memref<1x1x80xi32, #tpu.memory_space<vmem>>
    %dma_wait3A_91 = tpu.memref_squeeze %dma_wait3A_90 : memref<1x1x80xi32, #tpu.memory_space<vmem>> -> memref<80xi32, #tpu.memory_space<vmem>>
    %dma_wait3A_92 = arith.constant 0 : i32
    %dma_wait3A_93 = arith.constant 0 : i32
    %dma_wait3A_94 = tpu.memref_slice %arg4[%dma_wait3A_92, %dma_wait3A_93] : memref<10000x16xf32, #tpu.memory_space<vmem_shared>> -> memref<10000x16xf32, #tpu.memory_space<vmem_shared>>
    tpu.wait_indirect_dma semaphore(%arg8 : memref<!tpu.dma_semaphore, #tpu.memory_space<semaphore_mem>>) src(%arg6 : memref<80x16xf32, #tpu.memory_space<vmem>>) dst(%dma_wait3A_94 : memref<10000x16xf32, #tpu.memory_space<vmem_shared>>)
    %dma_wait3A_95 = arith.constant 0 : i32
    %dma_wait3A_96 = arith.constant 0 : i32
    %dma_wait3A_97 = arith.constant 0 : i32
    %dma_wait3A_98 = tpu.memref_slice %arg5[%dma_wait3A_95, %dma_wait3A_96, %dma_wait3A_97] : memref<3x25x80xi32, #tpu.memory_space<vmem>> -> memref<1x1x80xi32, #tpu.memory_space<vmem>>
    %dma_wait3A_99 = tpu.memref_squeeze %dma_wait3A_98 : memref<1x1x80xi32, #tpu.memory_space<vmem>> -> memref<80xi32, #tpu.memory_space<vmem>>
    %dma_wait3A_100 = arith.constant 0 : i32
    %dma_wait3A_101 = arith.constant 0 : i32
    %dma_wait3A_102 = tpu.memref_slice %arg4[%dma_wait3A_100, %dma_wait3A_101] : memref<10000x16xf32, #tpu.memory_space<vmem_shared>> -> memref<10000x16xf32, #tpu.memory_space<vmem_shared>>
    tpu.wait_indirect_dma semaphore(%arg8 : memref<!tpu.dma_semaphore, #tpu.memory_space<semaphore_mem>>) src(%arg6 : memref<80x16xf32, #tpu.memory_space<vmem>>) dst(%dma_wait3A_102 : memref<10000x16xf32, #tpu.memory_space<vmem_shared>>)
    %dma_wait3A_103 = arith.constant 0 : i32
    %dma_wait3A_104 = arith.constant 0 : i32
    %dma_wait3A_105 = arith.constant 0 : i32
    %dma_wait3A_106 = tpu.memref_slice %arg5[%dma_wait3A_103, %dma_wait3A_104, %dma_wait3A_105] : memref<3x25x80xi32, #tpu.memory_space<vmem>> -> memref<1x1x80xi32, #tpu.memory_space<vmem>>
    %dma_wait3A_107 = tpu.memref_squeeze %dma_wait3A_106 : memref<1x1x80xi32, #tpu.memory_space<vmem>> -> memref<80xi32, #tpu.memory_space<vmem>>
    %dma_wait3A_108 = arith.constant 0 : i32
    %dma_wait3A_109 = arith.constant 0 : i32
    %dma_wait3A_110 = tpu.memref_slice %arg4[%dma_wait3A_108, %dma_wait3A_109] : memref<10000x16xf32, #tpu.memory_space<vmem_shared>> -> memref<10000x16xf32, #tpu.memory_space<vmem_shared>>
    tpu.wait_indirect_dma semaphore(%arg8 : memref<!tpu.dma_semaphore, #tpu.memory_space<semaphore_mem>>) src(%arg6 : memref<80x16xf32, #tpu.memory_space<vmem>>) dst(%dma_wait3A_110 : memref<10000x16xf32, #tpu.memory_space<vmem_shared>>)
    %dma_wait3A_111 = arith.constant 0 : i32
    %dma_wait3A_112 = arith.constant 0 : i32
    %dma_wait3A_113 = arith.constant 0 : i32
    %dma_wait3A_114 = tpu.memref_slice %arg5[%dma_wait3A_111, %dma_wait3A_112, %dma_wait3A_113] : memref<3x25x80xi32, #tpu.memory_space<vmem>> -> memref<1x1x80xi32, #tpu.memory_space<vmem>>
    %dma_wait3A_115 = tpu.memref_squeeze %dma_wait3A_114 : memref<1x1x80xi32, #tpu.memory_space<vmem>> -> memref<80xi32, #tpu.memory_space<vmem>>
    %dma_wait3A_116 = arith.constant 0 : i32
    %dma_wait3A_117 = arith.constant 0 : i32
    %dma_wait3A_118 = tpu.memref_slice %arg4[%dma_wait3A_116, %dma_wait3A_117] : memref<10000x16xf32, #tpu.memory_space<vmem_shared>> -> memref<10000x16xf32, #tpu.memory_space<vmem_shared>>
    tpu.wait_indirect_dma semaphore(%arg8 : memref<!tpu.dma_semaphore, #tpu.memory_space<semaphore_mem>>) src(%arg6 : memref<80x16xf32, #tpu.memory_space<vmem>>) dst(%dma_wait3A_118 : memref<10000x16xf32, #tpu.memory_space<vmem_shared>>)
    %dma_wait3A_119 = arith.constant 0 : i32
    %dma_wait3A_120 = arith.constant 0 : i32
    %dma_wait3A_121 = arith.constant 0 : i32
    %dma_wait3A_122 = tpu.memref_slice %arg5[%dma_wait3A_119, %dma_wait3A_120, %dma_wait3A_121] : memref<3x25x80xi32, #tpu.memory_space<vmem>> -> memref<1x1x80xi32, #tpu.memory_space<vmem>>
    %dma_wait3A_123 = tpu.memref_squeeze %dma_wait3A_122 : memref<1x1x80xi32, #tpu.memory_space<vmem>> -> memref<80xi32, #tpu.memory_space<vmem>>
    %dma_wait3A_124 = arith.constant 0 : i32
    %dma_wait3A_125 = arith.constant 0 : i32
    %dma_wait3A_126 = tpu.memref_slice %arg4[%dma_wait3A_124, %dma_wait3A_125] : memref<10000x16xf32, #tpu.memory_space<vmem_shared>> -> memref<10000x16xf32, #tpu.memory_space<vmem_shared>>
    tpu.wait_indirect_dma semaphore(%arg8 : memref<!tpu.dma_semaphore, #tpu.memory_space<semaphore_mem>>) src(%arg6 : memref<80x16xf32, #tpu.memory_space<vmem>>) dst(%dma_wait3A_126 : memref<10000x16xf32, #tpu.memory_space<vmem_shared>>)
    %barrier3A_127 = arith.constant 0 : index
    tpu.barrier barrier_id(%barrier3A_127)
    %mul3A_128 = arith.constant 625 : i32
    %mul3A_129 = arith.muli %arg1, %mul3A_128 : i32
    %mul3A_130 = arith.constant 625 : i32
    %mul3A_131 = arith.muli %arg1, %mul3A_130 : i32
    "tpu.region"() ({
      %run_scoped3A_132 = tpu.sem_alloc : memref<!tpu.dma_semaphore, #tpu.memory_space<semaphore_mem>>
      %dma_start3A_133 = arith.constant 0 : i32
      %dma_start3A_134 = tpu.memref_slice %arg3[%arg0, %mul3A_131, %dma_start3A_133] : memref<2x10000x16xf32, #tpu.memory_space<hbm>> -> memref<1x625x16xf32, #tpu.memory_space<hbm>>
      %dma_start3A_135 = tpu.memref_squeeze %dma_start3A_134 : memref<1x625x16xf32, #tpu.memory_space<hbm>> -> memref<625x16xf32, #tpu.memory_space<hbm>>
      %dma_start3A_136 = arith.constant 0 : i32
      %dma_start3A_137 = tpu.memref_slice %arg4[%mul3A_129, %dma_start3A_136] : memref<10000x16xf32, #tpu.memory_space<vmem_shared>> -> memref<625x16xf32, #tpu.memory_space<vmem_shared>>
      tpu.enqueue_dma source(%dma_start3A_137 : memref<625x16xf32, #tpu.memory_space<vmem_shared>>) target(%dma_start3A_135 : memref<625x16xf32, #tpu.memory_space<hbm>>) target_semaphore(%run_scoped3A_132 : memref<!tpu.dma_semaphore, #tpu.memory_space<semaphore_mem>>)
      %dma_wait3A_138 = arith.constant 0 : i32
      %dma_wait3A_139 = tpu.memref_slice %arg3[%arg0, %mul3A_131, %dma_wait3A_138] : memref<2x10000x16xf32, #tpu.memory_space<hbm>> -> memref<1x625x16xf32, #tpu.memory_space<hbm>>
      %dma_wait3A_140 = tpu.memref_squeeze %dma_wait3A_139 : memref<1x625x16xf32, #tpu.memory_space<hbm>> -> memref<625x16xf32, #tpu.memory_space<hbm>>
      %dma_wait3A_141 = arith.constant 0 : i32
      %dma_wait3A_142 = tpu.memref_slice %arg4[%mul3A_129, %dma_wait3A_141] : memref<10000x16xf32, #tpu.memory_space<vmem_shared>> -> memref<625x16xf32, #tpu.memory_space<vmem_shared>>
      tpu.wait_dma2 semaphore(%run_scoped3A_132 : memref<!tpu.dma_semaphore, #tpu.memory_space<semaphore_mem>>) src(%dma_wait3A_142 : memref<625x16xf32, #tpu.memory_space<vmem_shared>>) dst(%dma_wait3A_140 : memref<625x16xf32, #tpu.memory_space<hbm>>)
      tpu.yield
    }) : () -> ()
    return
  }
}

</mosaic_0001>

<sc_bundles>
// kernel: _counts.3.cloned.1.call-start
scs
__scs_entry_jumppad:
0x0: {  	(pc) =	sbr.rel $0x88, $3  }
0x1: {  	(tag) =	ssettag $0x0;
	lr =	simm.s32 $0x1  }
0x2: {  	[smem:$0x3FA0] =	sst lr;
	_ =	strace $0xD0000000  }
0x3: {  	_ = 	snop  }
0x4: {  	_ = 	snop  }
0x5: {  	_ = 	snop  }
0x6: {  	_ = 	snop  }
0x7: {  	_ = 	snop  }
__scs_overlays_trampoline_lowered:
0x8: {  	[smem:$0x3FAF] =	sst s0  }
0x9: {  	[smem:$0x3FB0] =	sst s1  }
0xa: {  	[smem:$0x3FB1] =	sst s2  }
0xb: {  	[smem:$0x3FB2] =	sst s3  }
0xc: {  	[smem:$0x3FB3] =	sst s4  }
0xd: {  	[smem:$0x3FB4] =	sst s5  }
0xe: {  	[smem:$0x3FB5] =	sst s6  }
0xf: {  	[smem:$0x3FB6] =	sst s7  }
0x10: {  	[smem:$0x3FB7] =	sst s8  }
0x11: {  	[smem:$0x3FB8] =	sst s9;
	s0 =	simm.s32 @!p0 $0x0  }
0x12: {  	s1 =	sld [smem:$0x3F9E];
	s0 =	simm.s32 @p0 $0x1  }
0x13: {  	[smem:$0x3FB9] =	sst s0;
	s0 =	simm.s32 @!p1 $0x0  }
0x14: {  	s2 =	sld [smem:$0x3F9D];
	s0 =	simm.s32 @p1 $0x1  }
0x15: {  	[smem:$0x3FBA] =	sst s0;
	s0 =	simm.s32 @!p2 $0x0  }
0x16: {  	s3 =	sld [smem:$0x3FDB];
	s0 =	simm.s32 @p2 $0x1  }
0x17: {  	s4 =	simm.s32 $0x1BF5;
	[smem:$0x3FBC] =	sst s0  }
0x18: {  	s0 =	sld [smem:$0x3F9F];
	_ =	swait.ge [sflag:s4], $0x0  }
0x19: {  	s7 =	sld [smem:$0x3FA0]  }
0x1a: {  	s8 =	sadd.s32 $0xFFFFE003, lr  }
0x1b: {  	s9 =	sadd.s32 $0xFFFFFEF7, lr;
	s5 =	simm.s32 $0xFFFFFFFF;
	p2 =	slt.u32 s8, $0xFFFFF086  }
0x1c: {  	p1 =	slt.u32 s9, $0xF7A;
	s5 =	simm.s32 @!p2 $0x0  }
0x1d: {  	s5 =	simm.s32 @p1 $0x1;
	p0 =	seq.s32 s7, s2  }
0x1e: {  	s7 =	smul.u32 @!p0 $0xF7A, s2;
	p2 =	seq.s32 @!p0 s5, $0x0  }
0x1f: {  	s9 =	smul.u32 $0xF7A, s1;
	s8 =	simm.s32 @!p0 $0x1BF5;
	p2 =	por !p2, p0  }
0x20: {  	[sflag:s8] =	ssyncset.s32 @!p0 $0xFFFFF086;
	s6 =	sadd.s32 @!p0 s3, s7;
	s7 =	simm.s32 @!p0 $0x108  }
0x21: {  	s3 =	sadd.s32 s3, s9;
	s6 =	sadd.s32 @!p0 $0x88, s6;
	s7 =	simm.s32 @p2 $0x1082  }
0x22: {  	[simem:s7], [sflag:s8] =	dma.local @!p0 [hbm:s6], $0xF7A  }
0x23: {  	s9 =	sor.u32 $0xD0000000, s2;
	s6 =	simm.s32 $0x108;
	_ =	swait.ge @!p0 [sflag:s8], $0x0  }
0x24: {  	s3 =	sadd.s32 $0x88, s3;
	s6 =	simm.s32 @!p1 $0x1082;
	[sflag:s4] =	ssyncset.s32 $0xFFFFF086  }
0x25: {  	[simem:s6], [sflag:s4] =	dma.local [hbm:s3], $0xF7A  }
0x26: {  	[smem:$0x3FA0] =	sst s1;
	(tag) =	ssettag s2;
	_ =	strace s9  }
0x27: {  	s1 =	sld [smem:$0x3FB0]  }
0x28: {  	s2 =	sld [smem:$0x3FB1]  }
0x29: {  	s4 =	sld [smem:$0x3FB3]  }
0x2a: {  	p0 =	seq.s32 s5, $0x0;
	s5 =	sld [smem:$0x3FB4]  }
0x2b: {  	s6 =	sld [smem:$0x3FB5]  }
0x2c: {  	s7 =	sld [smem:$0x3FB6]  }
0x2d: {  	s3 =	simm.s32 $0x108;
	s8 =	sld [smem:$0x3FB7]  }
0x2e: {  	s3 =	simm.s32 @!p0 $0x1082;
	s9 =	sld [smem:$0x3FB8]  }
0x2f: {  	lr =	sadd.s32 s0, s3;
	s0 =	sld [smem:$0x3FAF]  }
0x30: {  	s3 =	sld [smem:$0x3FB2]  }
0x31: {  	[smem:$0x3FBB] =	sst s10  }
0x32: {  	s10 =	sld [smem:$0x3FB9];
	_ =	sdelay $0x3  }
0x33: {  	p0 =	seq.s32 s10, $0x1;
	s10 =	sld [smem:$0x3FBB];
	_ =	sdelay $0x3  }
0x34: {  	[smem:$0x3FBB] =	sst s10  }
0x35: {  	s10 =	sld [smem:$0x3FBA];
	_ =	sdelay $0x3  }
0x36: {  	p1 =	seq.s32 s10, $0x1;
	s10 =	sld [smem:$0x3FBB];
	_ =	sdelay $0x3  }
0x37: {  	[smem:$0x3FBB] =	sst s10  }
0x38: {  	s10 =	sld [smem:$0x3FBC]  }
0x39: {  	_ = 	snop;
	(pc) =	sbr.ind lr, $3  }
0x3a: {  	_ = 	snop  }
0x3b: {  	_ = 	snop  }
0x3c: {  	p2 =	seq.s32 s10, $0x1;
	s10 =	sld [smem:$0x3FBB]  }
0x3d: {  	_ =	shalt  }
0x3e: {  	_ =	shalt  }
0x3f: {  	_ =	shalt  }
0x40: {  	_ =	shalt  }
0x41: {  	_ =	shalt  }
0x42: {  	_ =	shalt  }
0x43: {  	_ =	shalt  }
0x44: {  	_ =	shalt  }
0x45: {  	_ =	shalt  }
0x46: {  	_ =	shalt  }
0x47: {  	_ =	shalt  }
0x48: {  	_ =	shalt  }
0x49: {  	_ =	shalt  }
0x4a: {  	_ =	shalt  }
0x4b: {  	_ =	shalt  }
0x4c: {  	_ =	shalt  }
0x4d: {  	_ =	shalt  }
0x4e: {  	_ =	shalt  }
0x4f: {  	_ =	shalt  }
0x50: {  	_ =	shalt  }
0x51: {  	_ =	shalt  }
0x52: {  	_ =	shalt  }
0x53: {  	_ =	shalt  }
0x54: {  	_ =	shalt  }
0x55: {  	_ =	shalt  }
0x56: {  	_ =	shalt  }
0x57: {  	_ =	shalt  }
0x58: {  	_ =	shalt  }
0x59: {  	_ =	shalt  }
0x5a: {  	_ =	shalt  }
0x5b: {  	_ =	shalt  }
0x5c: {  	_ =	shalt  }
0x5d: {  	_ =	shalt  }
0x5e: {  	_ =	shalt  }
0x5f: {  	_ =	shalt  }
0x60: {  	_ =	shalt  }
0x61: {  	_ =	shalt  }
0x62: {  	_ =	shalt  }
0x63: {  	_ =	shalt  }
0x64: {  	_ =	shalt  }
0x65: {  	_ =	shalt  }
0x66: {  	_ =	shalt  }
0x67: {  	_ =	shalt  }
0x68: {  	_ =	shalt  }
0x69: {  	_ =	shalt  }
0x6a: {  	_ =	shalt  }
0x6b: {  	_ =	shalt  }
0x6c: {  	_ =	shalt  }
0x6d: {  	_ =	shalt  }
0x6e: {  	_ =	shalt  }
0x6f: {  	_ =	shalt  }
0x70: {  	_ =	shalt  }
0x71: {  	_ =	shalt  }
0x72: {  	_ =	shalt  }
0x73: {  	_ =	shalt  }
0x74: {  	_ =	shalt  }
0x75: {  	_ =	shalt  }
0x76: {  	_ =	shalt  }
0x77: {  	_ =	shalt  }
0x78: {  	_ =	shalt  }
0x79: {  	_ =	shalt  }
0x7a: {  	_ =	shalt  }
0x7b: {  	_ =	shalt  }
0x7c: {  	_ =	shalt  }
0x7d: {  	_ =	shalt  }
0x7e: {  	_ =	shalt  }
0x7f: {  	_ =	shalt  }
0x80: {  	_ =	shalt  }
0x81: {  	_ =	shalt  }
0x82: {  	_ =	shalt  }
0x83: {  	_ =	shalt  }
0x84: {  	_ =	shalt  }
0x85: {  	_ =	shalt  }
0x86: {  	_ =	shalt  }
0x87: {  	_ =	shalt  }
.Lfunc_end0:
.L_simem_size_0:
called_computation_lowered:
.L_overlay_start_0:
0x88: {  	s2 =	sld [smem:$0x3FD9]  }
0x89: {  	s3 =	sld [smem:$0x3FFE];
	_ =	sdelay $0x1  }
0x8a: {  	s1 =	srdreg.scid  }
0x8b: {  	s0 =	sand.u32 $0x1, s1  }
0x8c: {  	s17 =	sshll.u32 s0, $0xA;
	s2 =	sadd.s32 s3, s2  }
0x8d: {  	s2 =	sadd.s32 s2, s17  }
0x8e: {  	[smem:$0x3FC7] =	sst s2  }
0x8f: {  	_ = 	snop  }
0x90: {  	s2 =	sld [smem:$0x3FD0];
	(tm) =	ssettm $0x1  }
0x91: {  	s18 =	sld [smem:$0x3FFB];
	_ =	sdelay $0x3  }
0x92: {  	_ =	strace s18  }
0x93: {  	s3 =	sld [smem:$0x3FFC];
	_ =	sdelay $0x3  }
0x94: {  	_ =	strace s3  }
0x95: {  	s3 =	sld [smem:$0x3FFD];
	_ =	sdelay $0x3  }
0x96: {  	_ =	strace s3  }
0x97: {  	_ =	strace $0x8FFFFFFF  }
0x98: {  	s19 =	sld [smem:$0x3FDB];
	_ =	sdelay $0x1  }
0x99: {  	s4 =	simm.s32 $_scs_section_size  }
0x9a: {  	s5 =	simm.s32 $_size__tile_overlayer_lowered;
	s6 =	simm.s32 $_tile_overlayer_lowered  }
0x9b: {  	s22 =	simm.s32 $0x1BFF;
	s21 =	sshll.u32 s6, $0x1;
	s3 =	sadd.s32 s4, s19  }
0x9c: {  	s7 =	simm.s32 $0x0;
	s20 =	sshll.u32 s5, $0x1;
	s5 =	sadd.s32 s21, s3  }
0x9d: {  	[timem:s7], [sflag:s22] =	dma.local [hbm:s5], s20  }
0x9e: {  	_ =	swait.ge [sflag:s22], s20  }
0x9f: {  	s4 =	ssub.s32 $0x0, s20;
	[sflag:s22] =	ssyncset.done $0x0  }
0xa0: {  	[sflag:s22] =	ssyncadd.s32 s4;
	_ =	sdelay $0x1  }
0xa1: {  	s23 =	simm.s32 $0x1B8B  }
0xa2: {  	_ =	swait.ge [sflag:s23], $0x1  }
0xa3: {  	[sflag:s23] =	ssyncset.done $0x0  }
0xa4: {  	s25 =	simm.s32 $0x1B8E;
	s24 =	sld [smem:$0x3FFE];
	[sflag:s23] =	ssyncadd.s32 $0xFFFFFFFF  }
0xa5: {  	s26 =	simm.s32 $execute0_lowered;
	[smem:$0x3FD2] =	sst s25  }
0xa6: {  	s5 =	sshll.u32 s26, $0x1;
	_ =	strace $0x80000046;
	[dreg:$0x1] =	wrdreg $0xFFFFFFFF  }
0xa7: {  	s28 =	simm.s32 $_size_execute0_lowered;
	s3 =	sadd.s32 s3, s5;
	[dreg:$0x0] =	wrdreg $0x0  }
0xa8: {  	s5 =	sshll.u32 s28, $0x1;
	[dreg:$0x2] =	wrdreg s3  }
0xa9: {  	[dreg:$0x3] =	wrdreg s5  }
0xaa: {  	[dreg:$0x4] =	wrdreg $0xC0  }
0xab: {  	_ =	task [dreg:s7], $0x5FFFF  }
0xac: {  	[dreg:$0x1] =	wrdreg $0xFFFFFFFF  }
0xad: {  	[dreg:$0x0] =	wrdreg $0x60  }
0xae: {  	[dreg:$0x2] =	wrdreg s24  }
0xaf: {  	[dreg:$0x3] =	wrdreg s2  }
0xb0: {  	[dreg:$0x4] =	wrdreg $0x0  }
0xb1: {  	[dreg:$0x5] =	wrdreg $0x9  }
0xb2: {  	_ =	task.clear_ibuf [dreg:s7], $0x6FFFF;
	_ =	strace $0x90000046  }
0xb3: {  	s29 =	simm.s32 $0x9;
	_ =	strace $0x80000048  }
0xb4: {  	_ =	swait.ge [sflag:s29], $0x1  }
0xb5: {  	[sflag:s29] =	ssyncadd.s32 $0xFFFFFFFF  }
0xb6: {  	_ =	strace $0x90000048  }
0xb7: {  	_ =	sfence  }
0xb8: {  	s30 =	sld [smem:$0x0];
	_ =	sdelay $0x2  }
0xb9: {  	s31 =	sshll.u32 s1, $0xD;
	s1 =	sshrl.u32 s1, $0x2  }
0xba: {  	s3 =	sand.u32 $0x4000, s31;
	s1 =	sadd.s32 s1, s30  }
0xbb: {  	s0 =	sor.u32 s3, s0;
	s1 =	sshll.u32 s1, $0x11  }
0xbc: {  	s0 =	sor.u32 s1, s0  }
0xbd: {  	s0 =	sadd.s32 $0x8F2B, s0  }
0xbe: {  	[sflag:s0] =	ssyncadd.remote.s32 $0x1  }
0xbf: {  	_ =	sfence.sel $0xFFFF  }
0xc0: {  	[dreg:$0x0] =	wrdreg $0xFFFFFFFF;
	(pc) =	sbr.abs _section_cstart, $3  }
0xc1: {  	[dreg:$0x1] =	wrdreg $0xFFFFFFFF  }
0xc2: {  	_ =	task.clear_ibuf [dreg:s7], $0x2FFFF;
	_ =	strace $0x9FFFFFFF  }
0xc3: {  	(tm) =	ssettm $0x7FFFFFFF  }
tec
execute0_lowered:
.L_overlay_start_1:
0x0: {  	(tag) =	ssettag $0x1  }
0x1: {  	s5 =	rddreg [dreg:$0x0]  }
0x2: {  	s17 =	rddreg [dreg:$0x1]  }
0x3: {  	s1 =	rddreg [dreg:$0x2];
	s3 =	simm.s32 $0x0;
	s4 =	srdreg.scid  }
0x4: {  	s2 =	stileid.u32;
	s20 =	simm.s32 $0x3;
	s21 =	simm.s32 $0x2710  }
0x5: {  	s22 =	simm.s32 $0x2EE0;
	s10 =	sand.u32 $0x1, s4;
	s4 =	smul.u32 $0xFA, s2  }
0x6: {  	s23 =	simm.s32 $0x2;
	s24 =	simm.s32 $0x50;
	s7 =	smul.u32 $0x9C40, s2  }
0x7: {  	s25 =	simm.s32 $0x3E80;
	s26 =	simm.s32 $0x1;
	s13 =	smul.u32 $0x2710, s2  }
0x8: {  	[smem:$0x7FF] =	sst s3;
	s5 =	sadd.s32 $0x400, s5;
	s12 =	smul.u32 $0x4E20, s2  }
0x9: {  	_ =	strace $0x80000047;
	s6 =	ssub.s32 $0x2, s10;
	s9 =	sxor.u32 $0x1, s10  }
0xa: {  	s14 =	smul.u32 $0x27100, s10;
	s8 =	sshrl.u32 s6, $0x1;
	s31 =	sshrl.u32 s7, $0x2  }
0xb: {  	s7 =	sadd.s32 s13, s1;
	s18 =	ssub.s32 s6, s8;
	s15 =	sadd.s32 s31, s1  }
0xc: {  	s6 =	smul.u32 $0x4E200, s9;
	s19 =	sadd.s32 s13, s14;
	s8 =	sadd.s32 $0x500, s15  }
.Ltmp0:
0xd: {  	s9 =	sadd.s32 $0xA00, s15;
	s10 =	sadd.s32 $0xF00, s15;
	(pc) =	sbr.rel .LBB2_1-.Ltmp0, $4  }
0xe: {  	s11 =	sadd.s32 $0x1400, s15;
	s13 =	sadd.s32 $0x1E00, s15;
	s16 =	sadd.s32 s12, s6  }
0xf: {  	s19 =	sshrl.u32 s19, $0x3;
	s18 =	smax.u32 s18, $0x1;
	s16 =	sshrl.u32 s16, $0x3  }
0x10: {  	s12 =	sadd.s32 $0x1900, s15;
	s15 =	sadd.s32 $0x2300, s15;
	s14 =	sadd.s32 s5, s16  }
0x11: {  	v0 =	vimm.f32 $1.000000000e+00;
	v1 =	vimm.f32 $0.0e+00;
	s17 =	sadd.s32 s17, s19;
	s19 =	simm.s32 $0x4380;
	s16 =	sadd.s32 $0xFA, s14  }
.LBB2_9:
0x12: {  	_ =	swait.ge [sflag:s26], $0x500  }
0x13: {  	[sflag:s26] =	ssyncset.done $0x0  }
0x14: {  	[sflag:s26] =	ssyncadd.s32 $0xFFFFFB00  }
0x15: {  	_ =	swait.ge [sflag:s26], $0x500  }
0x16: {  	[sflag:s26] =	ssyncset.done $0x0  }
0x17: {  	[sflag:s26] =	ssyncadd.s32 $0xFFFFFB00  }
0x18: {  	_ =	swait.ge [sflag:s26], $0x500  }
0x19: {  	[sflag:s26] =	ssyncset.done $0x0  }
0x1a: {  	[sflag:s26] =	ssyncadd.s32 $0xFFFFFB00  }
0x1b: {  	_ =	swait.ge [sflag:s26], $0x500  }
0x1c: {  	[sflag:s26] =	ssyncset.done $0x0  }
0x1d: {  	[sflag:s26] =	ssyncadd.s32 $0xFFFFFB00  }
0x1e: {  	_ =	swait.ge [sflag:s26], $0x500  }
0x1f: {  	[sflag:s26] =	ssyncset.done $0x0  }
0x20: {  	[sflag:s26] =	ssyncadd.s32 $0xFFFFFB00  }
0x21: {  	_ =	swait.ge [sflag:s26], $0x500  }
0x22: {  	[sflag:s26] =	ssyncset.done $0x0  }
0x23: {  	[sflag:s26] =	ssyncadd.s32 $0xFFFFFB00  }
0x24: {  	_ =	swait.ge [sflag:s26], $0x500  }
0x25: {  	[sflag:s26] =	ssyncset.done $0x0  }
0x26: {  	[sflag:s26] =	ssyncadd.s32 $0xFFFFFB00  }
0x27: {  	_ =	swait.ge [sflag:s26], $0x500  }
0x28: {  	s0 =	sshll.u32 s2, $0x6;
	s3 =	sadd.s32 $0x1, s3;
	[sflag:s26] =	ssyncset.done $0x0  }
0x29: {  	s28 =	sshrl.u32 s7, $0x3;
	p0 =	sne.s32 s3, s18;
	[sflag:s26] =	ssyncadd.s32 $0xFFFFFB00  }
.Ltmp1:
0x2a: {  	s0 =	sor.u32 $0x1C03, s0;
	[bflag:$0x0] =	sbarrier.arrive $0xFFFF;
	(pc) =	sbr.rel @!p0 .LBB2_10-.Ltmp1, $4  }
0x2b: {  	[hbm:s17], [sflag:s0] =	dma.local [spmem:s28], $0x4E2  }
0x2c: {  	_ =	swait.ge [sflag:s20], $0x4E2  }
0x2d: {  	[sflag:s20] =	ssyncset.done $0x0  }
0x2e: {  	[sflag:s20] =	ssyncadd.s32 $0xFFFFFB1E  }
.LBB2_1:
0x2f: {  	s28 =	simm.s32 $0x40;
	s29 =	simm.s32 $0x0  }
.LBB2_2:
0x30: {  	p0 =	sne.s32 s28, $0x13C0;
	[tilespmem:s29+$0x3E80] =	vst v0;
	s30 =	smov.u32 s28;
	s28 =	sadd.s32 $0x40, s28  }
.Ltmp2:
0x31: {  	[tilespmem:s29+$0x4380] =	vst v1;
	(pc) =	sbr.rel @p0 .LBB2_2-.Ltmp2, $2  }
0x32: {  	_ =	sdelay $0x2  }
0x33: {  	s29 =	sshra.s32 s30, $0x2  }
0x34: {  	[tilespmem:s29+$0x3E80] =	vst v0  }
0x35: {  	[tilespmem:s29+$0x4380] =	vst v1  }
0x36: {  	[spmem:s7] =	stream.linear.scatter [tilespmem:s19], [sflag:$0x3], $0x500, $0x38;
	[tilespmem:$0x4880] =	vst v63  }
0x37: {  	_ =	swait.ge [sflag:s20], $0x500  }
0x38: {  	[sflag:s20] =	ssyncset.done $0x0  }
0x39: {  	[sflag:s20] =	ssyncadd.s32 $0xFFFFFB00  }
0x3a: {  	[spmem:s8] =	stream.linear.scatter [tilespmem:s19], [sflag:$0x3], $0x500, $0x38;
	[tilespmem:$0x4880] =	vst v63  }
0x3b: {  	_ =	swait.ge [sflag:s20], $0x500  }
0x3c: {  	[sflag:s20] =	ssyncset.done $0x0  }
0x3d: {  	[sflag:s20] =	ssyncadd.s32 $0xFFFFFB00  }
0x3e: {  	[spmem:s9] =	stream.linear.scatter [tilespmem:s19], [sflag:$0x3], $0x500, $0x38;
	[tilespmem:$0x4880] =	vst v63  }
0x3f: {  	_ =	swait.ge [sflag:s20], $0x500  }
0x40: {  	[sflag:s20] =	ssyncset.done $0x0  }
0x41: {  	[sflag:s20] =	ssyncadd.s32 $0xFFFFFB00  }
0x42: {  	[spmem:s10] =	stream.linear.scatter [tilespmem:s19], [sflag:$0x3], $0x500, $0x38;
	[tilespmem:$0x4880] =	vst v63  }
0x43: {  	_ =	swait.ge [sflag:s20], $0x500  }
0x44: {  	[sflag:s20] =	ssyncset.done $0x0  }
0x45: {  	[sflag:s20] =	ssyncadd.s32 $0xFFFFFB00  }
0x46: {  	[spmem:s11] =	stream.linear.scatter [tilespmem:s19], [sflag:$0x3], $0x500, $0x38;
	[tilespmem:$0x4880] =	vst v63  }
0x47: {  	_ =	swait.ge [sflag:s20], $0x500  }
0x48: {  	[sflag:s20] =	ssyncset.done $0x0  }
0x49: {  	[sflag:s20] =	ssyncadd.s32 $0xFFFFFB00  }
0x4a: {  	[spmem:s12] =	stream.linear.scatter [tilespmem:s19], [sflag:$0x3], $0x500, $0x38;
	[tilespmem:$0x4880] =	vst v63  }
0x4b: {  	_ =	swait.ge [sflag:s20], $0x500  }
0x4c: {  	[sflag:s20] =	ssyncset.done $0x0  }
0x4d: {  	[sflag:s20] =	ssyncadd.s32 $0xFFFFFB00  }
0x4e: {  	[spmem:s13] =	stream.linear.scatter [tilespmem:s19], [sflag:$0x3], $0x500, $0x38;
	[tilespmem:$0x4880] =	vst v63  }
0x4f: {  	_ =	swait.ge [sflag:s20], $0x500  }
0x50: {  	[sflag:s20] =	ssyncset.done $0x0  }
0x51: {  	[sflag:s20] =	ssyncadd.s32 $0xFFFFFB00  }
0x52: {  	[spmem:s15] =	stream.linear.scatter [tilespmem:s19], [sflag:$0x3], $0x410, $0x38;
	[tilespmem:$0x4880] =	vst v63  }
0x53: {  	_ =	swait.ge [sflag:s20], $0x410  }
0x54: {  	[sflag:s20] =	ssyncset.done $0x0  }
0x55: {  	s28 =	simm.s32 $0x0;
	[sflag:s20] =	ssyncadd.s32 $0xFFFFFBF0  }
0x56: {  	[tilespmem:s21], [sflag:$0x3] =	stream.linear.gather [hbm4b:s14+s28], $0x7D0, $0x38;
	[tilespmem:$0x4880] =	vst v63  }
0x57: {  	_ =	swait.ge [sflag:s20], $0x7D0  }
.Ltmp3:
0x58: {  	[sflag:s20] =	ssyncset.done $0x0;
	(pc) =	sbr.rel .LBB2_4-.Ltmp3, $3  }
0x59: {  	[sflag:s20] =	ssyncadd.s32 $0xFFFFF830  }
0x5a: {  	[tilespmem:s22], [sflag:$0x2] =	stream.linear.gather [hbm4b:s16+s28], $0x7D0, $0x38;
	[tilespmem:$0x4880] =	vst v63  }
0x5b: {  	[bflag:$0x0] =	sbarrier.arrive $0xFFFF;
	_ =	sdelay $0x1  }
.LBB2_5:
0x5c: {  	_ =	swait.ge [sflag:s23], $0x7D0;
	s31 =	sshrl.u32 s31, $0x2;
	s0 =	sshrl.u32 s0, $0x2  }
0x5d: {  	[sflag:s23] =	ssyncset.done $0x0;
	s0 =	sadd.s32 s0, s31  }
0x5e: {  	[sflag:s23] =	ssyncadd.s32 $0xFFFFF830;
	s0 =	sadd.s32 $0x2710, s0  }
0x5f: {  	[spmem:s1] =	stream.indirect.scatter.add.f32 [tilespmem:s25], [sflag:$0x1], $0x10, s0, s24, $0xb8;
	[tilespmem:$0x4880] =	vst v63  }
.LBB2_7:
0x60: {  	_ =	swait.ge [sflag:s26], $0x500  }
0x61: {  	[sflag:s26] =	ssyncset.done $0x0  }
0x62: {  	[sflag:s26] =	ssyncadd.s32 $0xFFFFFB00  }
.LBB2_8:
0x63: {  	p0 =	sne.s32 s30, $0x0;
	s0 =	sadd.s32 $0xFFFFFFFF, s29  }
0x64: {  	p1 =	sgt.u32 @!p0 s0, $0x7  }
0x65: {  	s0 =	sadd.s32 $0x1, s29;
	p0 =	por p1, p0  }
0x66: {  	s29 =	smul.u32 @!p0 $0x56, s0;
	_ =	sdelay $0x1  }
0x67: {  	s30 =	smul.u32 @!p0 $0x19, s0;
	s29 =	sshrl.u32 @!p0 s29, $0x8  }
0x68: {  	s29 =	smul.u32 @!p0 $0x3, s29;
	_ =	sdelay $0x1  }
0x69: {  	s30 =	sadd.s32 @!p0 s4, s30;
	s0 =	ssub.s32 @!p0 s0, s29  }
0x6a: {  	s29 =	smul.u32 @!p0 $0x50, s30;
	s0 =	sand.u32 @!p0 $0xFF, s0  }
0x6b: {  	s0 =	smul.u32 @!p0 $0x1F40, s0  }
0x6c: {  	s29 =	sadd.s32 @!p0 s6, s29  }
0x6d: {  	s28 =	sadd.s32 $0x1, s28;
	s29 =	sshrl.u32 @!p0 s29, $0x3;
	s0 =	sshrl.u32 @!p0 s0, $0x2  }
0x6e: {  	s30 =	simm.s32 @!p0 $0x0;
	s29 =	sadd.s32 @!p0 s5, s29;
	s0 =	sadd.s32 @!p0 $0x2710, s0  }
0x6f: {  	[tilespmem:s0], [sflag:$0x2] =	stream.linear.gather @!p0 [hbm4b:s29+s30], $0x7D0, $0x38;
	[tilespmem:$0x4880] =	vst v63  }
0x70: {  	p0 =	sne.s32 s28, $0xFA  }
.Ltmp4:
0x71: {  	_ = 	snop;
	(pc) =	sbr.rel @!p0 .LBB2_9-.Ltmp4, $1  }
0x72: {  	_ =	sdelay $0x3  }
.LBB2_4:
0x73: {  	s29 =	smul.u32 $0x29, s28;
	_ =	sdelay $0x1  }
0x74: {  	s29 =	sshrl.u32 s29, $0xA  }
0x75: {  	s29 =	sand.u32 $0x3F, s29  }
0x76: {  	s31 =	smul.u32 $0x19, s29  }
0x77: {  	s30 =	smul.u32 $0x56, s29  }
0x78: {  	p0 =	sgt.u32 s28, $0xE0;
	s31 =	ssub.s32 s28, s31  }
0x79: {  	s30 =	sshrl.u32 s30, $0x8;
	s0 =	sand.u32 @!p0 $0xFF, s31  }
0x7a: {  	s30 =	smul.u32 $0x3, s30;
	p1 =	sne.s32 @!p0 s0, $0x18  }
0x7b: {  	p0 =	por p0, p1  }
.Ltmp5:
0x7c: {  	s30 =	ssub.s32 s29, s30;
	(pc) =	sbr.rel @!p0 .LBB2_5-.Ltmp5, $3  }
0x7d: {  	s0 =	sand.u32 $0xFF, s30  }
0x7e: {  	s30 =	sand.u32 $0xFF, s31;
	s31 =	smul.u32 $0x1F40, s0  }
0x7f: {  	s0 =	smul.u32 $0x140, s30;
	_ =	sdelay $0x1  }
0x80: {  	p0 =	slt.u32 s28, $0x8  }
.Ltmp6:
0x81: {  	_ = 	snop;
	(pc) =	sbr.rel @p0 .LBB2_8-.Ltmp6, $4  }
.Ltmp7:
0x82: {  	s31 =	sshrl.u32 s31, $0x2;
	s0 =	sshrl.u32 s0, $0x2;
	(pc) =	sbr.rel @!p0 .LBB2_7-.Ltmp7, $4  }
0x83: {  	s0 =	sadd.s32 s0, s31  }
0x84: {  	s0 =	sadd.s32 $0x2710, s0  }
0x85: {  	[spmem:s1] =	stream.indirect.scatter.add.f32 [tilespmem:s25], [sflag:$0x1], $0x10, s0, s24, $0xb8;
	[tilespmem:$0x4880] =	vst v63  }
0x86: {  	_ = 	snop  }
.LBB2_10:
0x87: {  	_ =	sfence.sel $0x180000  }
0x88: {  	[bflag:$0x0] =	sbarrier.arrive $0xFFFF  }
0x89: {  	_ =	strace $0x90000047  }
0x8a: {  	[bflag:$0x2] =	sbarrier.arrive $0xFFFF  }
0x8b: {  	p0 =	sne.s32 s2, $0x0;
	s0 =	rddreg [dreg:$0x3]  }
0x8c: {  	s0 =	sadd.s32 @!p0 $0x100000, s0  }
0x8d: {  	[sflag:s0] =	ssyncadd.tile.s32 @!p0 $0x1;
	_ =	shalt  }
.Lfunc_end2:
_tile_overlayer_lowered:
.L_overlay_start_2:
0x8e: {  	(tag) =	ssettag $0x2  }
0x8f: {  	s0 =	rddreg [dreg:$0x0];
	s2 =	stileid.u32  }
0x90: {  	s1 =	rddreg [dreg:$0x1];
	p0 =	sne.s32 s2, $0x0  }
0x91: {  	s3 =	rddreg [dreg:$0x2];
	[bflag:$0x3] =	sbarrier.arrive $0xFFFF;
	s2 =	simm.s32 @!p0 $0x1C03  }
0x92: {  	[timem:s3], [sflag:s2] =	dma.local @!p0 [hbm:s0], s1  }
0x93: {  	s0 =	simm.s32 @!p0 $0x3  }
0x94: {  	_ =	swait.ge @!p0 [sflag:s0], s1  }
0x95: {  	s1 =	ssub.s32 @!p0 $0x0, s1;
	[sflag:s0] =	ssyncset.done @!p0 $0x0  }
0x96: {  	[sflag:s0] =	ssyncadd.s32 @!p0 s1  }
0x97: {  	[bflag:$0x3] =	sbarrier.arrive $0xFFFF  }
0x98: {  	_ =	shalt  }

</sc_bundles>
